<compile_context>
chip_gen: v7x
topology: tpu7x:2x2x1
jax: 0.10.2.dev20260603
libtpu: 0.0.44.dev20260713+nightly
codegen_flags: <defaults>
</compile_context>

<pallas_src>
import functools

import jax
import jax.numpy as jnp
from jax import lax
from jax.experimental import pallas as pl
from jax.experimental.pallas import tpu as pltpu
from jax.experimental.pallas import tpu_sc as plsc

NC = 2
NS = 16
L = 16
NW = NC * NS

CH = 128


def _sc_scatter(n_nodes, d, ep, acc_rows, n0, n1):
    n_ch = ep // (NW * CH) * 2
    assert n0 + n1 == n_ch and n0 % 2 == 0 and n1 % 2 == 0
    rows_per_tile = acc_rows // NS
    n_zero = rows_per_tile // CH

    mesh = plsc.VectorSubcoreMesh(core_axis_name="c", subcore_axis_name="s")

    @functools.partial(
        pl.kernel,
        mesh=mesh,
        out_type=jax.ShapeDtypeStruct((NC, acc_rows, d), jnp.float32),
        scratch_types=(
            [pltpu.VMEM((CH,), jnp.int32) for _ in range(4)]
            + [pltpu.VMEM((CH, d), jnp.float32) for _ in range(2)]
            + [pltpu.VMEM_SHARED((acc_rows, d), jnp.float32)]
            + [pltpu.SemaphoreType.DMA for _ in range(4)]
        ),
    )
    def k(feat_hbm, src_hbm, dst_hbm, out_hbm, src0, dst0, src1, dst1,
          rows0, rows1, acc_sh, g0, g1, s0, s1):
        cid = lax.axis_index("c")
        sid = lax.axis_index("s")
        nc_mine = jnp.where(cid == 0, n0, n1)
        cbase = jnp.where(cid == 0, sid * n0, NS * n0 + sid * n1)

        def zero_body(i, _):
            rows0[i // (d // L), pl.ds((i % (d // L)) * L, L)] = jnp.zeros(
                (L,), jnp.float32)
            return _
        lax.fori_loop(0, CH * (d // L), zero_body, None)
        acc_base = sid * rows_per_tile
        for j in range(n_zero):
            pltpu.sync_copy(rows0, acc_sh.at[pl.ds(acc_base + j * CH, CH)])
        plsc.subcore_barrier()

        ebase = cbase * CH

        def fetch(sref, dref, c):
            off = ebase + c * CH
            pltpu.sync_copy(src_hbm.at[pl.ds(off, CH)], sref)
            pltpu.sync_copy(dst_hbm.at[pl.ds(off, CH)], dref)

        def gstart(sref, rows, sem):
            pltpu.async_copy(feat_hbm.at[sref], rows, sem)

        def gwait(sref, rows, sem):
            pltpu.make_async_copy(feat_hbm.at[sref], rows, sem).wait()

        def sstart(dref, rows, sem):
            pltpu.async_copy(rows, acc_sh.at[dref], sem, add=True)

        def swait(dref, rows, sem):
            pltpu.make_async_copy(rows, acc_sh.at[dref], sem).wait()

        fetch(src0, dst0, 0)
        gstart(src0, rows0, g0)

        def edge_body(g, _):
            c0 = 2 * g
            fetch(src1, dst1, c0 + 1)
            gwait(src0, rows0, g0)
            sstart(dst0, rows0, s0)
            gstart(src1, rows1, g1)
            swait(dst0, rows0, s0)
            fetch(src0, dst0, jnp.minimum(c0 + 2, nc_mine - 1))
            gstart(src0, rows0, g0)
            gwait(src1, rows1, g1)
            sstart(dst1, rows1, s1)
            swait(dst1, rows1, s1)
            return _
        lax.fori_loop(0, nc_mine // 2, edge_body, None)
        gwait(src0, rows0, g0)
        plsc.subcore_barrier()

        pltpu.sync_copy(
            acc_sh.at[pl.ds(acc_base, rows_per_tile)],
            out_hbm.at[cid, pl.ds(acc_base, rows_per_tile)],
        )

    return k


def _combine_body(p0_ref, p1_ref, w_ref, o_ref):
    o_ref[...] = (p0_ref[0] + p1_ref[0]) * w_ref[...]


def kernel(features, edge_index, W):
    n_nodes, d = features.shape
    e = edge_index.shape[1]

    ep = -(-e // (2 * NW * CH)) * (2 * NW * CH)
    src = edge_index[0]
    dst = edge_index[1]
    if ep != e:
        pad = ep - e
        src = jnp.concatenate([src, jnp.zeros((pad,), jnp.int32)])
        dst = jnp.concatenate([dst, jnp.full((pad,), n_nodes, jnp.int32)])

    acc_rows = -(-(n_nodes + 1) // (NS * CH)) * (NS * CH)
    n_ch = ep // (NW * CH) * 2
    n0 = 148 if n_ch == 160 else n_ch // 2
    n1 = n_ch - n0
    partial = _sc_scatter(n_nodes, d, ep, acc_rows, n0, n1)(
        features, src, dst)

    blk = 1000
    grid = n_nodes // blk
    out = pl.pallas_call(
        _combine_body,
        grid=(grid,),
        in_specs=[
            pl.BlockSpec((1, blk, d), lambda i: (0, i, 0)),
            pl.BlockSpec((1, blk, d), lambda i: (1, i, 0)),
            pl.BlockSpec((1, d), lambda i: (0, 0)),
        ],
        out_specs=pl.BlockSpec((blk, d), lambda i: (i, 0)),
        out_shape=jax.ShapeDtypeStruct((n_nodes, d), jnp.float32),
    )(partial, partial, W.reshape(1, d))
    return out

# --- scband reference (transcript-rebuilt; emitter-appended) ---
"""Pipeline reference for scband-gcnconv-diag-dgl-11682311045157 (READ-ONLY COPY).

The authoritative reference and input builder live on the scoring server;
editing this copy changes nothing except your own understanding.
"""

import jax, jax.numpy as jnp
import numpy as np

N_NODES = 10000
D_FEAT = 128
N_EDGES = 320000


def setup_inputs(seed: int = 0) -> dict:
    key = jax.random.key(seed)
    k1, k2 = jax.random.split(key, 2)
    features = jax.random.normal(k1, (N_NODES, D_FEAT), dtype=jnp.float32)
    edge_index = jax.random.randint(k2, (2, N_EDGES), 0, N_NODES, dtype=jnp.int32)
    # Learned parameter: diagonal weight vector (initialized to ones as in the module)
    W = jnp.ones((D_FEAT,), dtype=jnp.float32)
    return {"features": features, "edge_index": edge_index, "W": W}


def reference(features, edge_index, W):
    # weighted_features = features * W  (diagonal linear transform)
    weighted = features * W
    src = edge_index[0]
    dst = edge_index[1]
    # DGL update_all(copy_u('h','m'), sum('m','h')):
    # message = weighted[src], reduce = sum at dst
    messages = jnp.take(weighted, src, axis=0)
    out = jax.ops.segment_sum(messages, dst, num_segments=N_NODES)
    return out

if __name__ == "__main__":
    import jax
    _d = setup_inputs()
    print(jax.jit(kernel)(*tuple(_d.values())))

</pallas_src>

<mosaic_0001>
#map = affine_map<(d0, d1) -> (0, 0)>
#map1 = affine_map<(d0, d1) -> (0)>
#map2 = affine_map<(d0, d1) -> (0, 0, 0)>
module attributes {stable_mosaic.version = 14 : i64} {
  func.func @k(%arg0: i32, %arg1: i32, %arg2: memref<10000x128xf32, #tpu.memory_space<hbm>>, %arg3: memref<327680xi32, #tpu.memory_space<hbm>>, %arg4: memref<327680xi32, #tpu.memory_space<hbm>>, %arg5: memref<2x10240x128xf32, #tpu.memory_space<hbm>>, %arg6: memref<128xi32, #tpu.memory_space<vmem>>, %arg7: memref<128xi32, #tpu.memory_space<vmem>>, %arg8: memref<128xi32, #tpu.memory_space<vmem>>, %arg9: memref<128xi32, #tpu.memory_space<vmem>>, %arg10: memref<128x128xf32, #tpu.memory_space<vmem>>, %arg11: memref<128x128xf32, #tpu.memory_space<vmem>>, %arg12: memref<10240x128xf32, #tpu.memory_space<vmem_shared>>, %arg13: memref<!tpu.dma_semaphore, #tpu.memory_space<semaphore_mem>>, %arg14: memref<!tpu.dma_semaphore, #tpu.memory_space<semaphore_mem>>, %arg15: memref<!tpu.dma_semaphore, #tpu.memory_space<semaphore_mem>>, %arg16: memref<!tpu.dma_semaphore, #tpu.memory_space<semaphore_mem>>) attributes {dimension_semantics = [#tpu.dimension_semantics<core_parallel>, #tpu.dimension_semantics<subcore_parallel>], iteration_bounds = array<i64: 2, 16>, scalar_prefetch = 0 : i64, scratch_operands = 11 : i64, tpu.core_type = #tpu.core_type<sc_vector_subcore>, window_params = [{transform_indices = #map}, {transform_indices = #map1}, {transform_indices = #map1}, {transform_indices = #map2}]} {
    %eq3A = arith.constant 0 : i32
    %eq3A_0 = arith.cmpi eq, %arg0, %eq3A : i32
    %jit3A = arith.constant 148 : i32
    %jit3A_1 = arith.constant 12 : i32
    %select_n3A = arith.select %eq3A_0, %jit3A, %jit3A_1 : i32
    %eq3A_2 = arith.constant 0 : i32
    %eq3A_3 = arith.cmpi eq, %arg0, %eq3A_2 : i32
    %mul3A = arith.constant 148 : i32
    %mul3A_4 = arith.muli %arg1, %mul3A : i32
    %mul3A_5 = arith.constant 12 : i32
    %mul3A_6 = arith.muli %arg1, %mul3A_5 : i32
    %add3A = arith.constant 2368 : i32
    %add3A_7 = arith.addi %add3A, %mul3A_6 : i32
    %select_n3A_8 = arith.select %eq3A_3, %mul3A_4, %add3A_7 : i32
    %scan3A = arith.constant 0 : i32
    %scan3A_9 = arith.constant 1024 : i32
    %scan3A_10 = arith.addi %scan3A, %scan3A_9 : i32
    %scan3A_11 = arith.constant 1 : i32
    scf.for %scan3A_60 = %scan3A to %scan3A_10 step %scan3A_11  : i32 {
      %broadcast_in_dim3A = arith.constant 0.000000e+00 : f32
      %broadcast_in_dim3A_61 = vector.broadcast %broadcast_in_dim3A : f32 to vector<16xf32>
      %jit3A_62 = arith.constant 8 : i32
      %div3A_63 = arith.divsi %scan3A_60, %jit3A_62 : i32
      %sign3A_64 = arith.constant 0 : i32
      %sign3A_65 = arith.cmpi sgt, %scan3A_60, %sign3A_64 : i32
      %sign3A_66 = arith.extui %sign3A_65 : i1 to i32
      %sign3A_67 = arith.constant 0 : i32
      %sign3A_68 = arith.cmpi slt, %scan3A_60, %sign3A_67 : i32
      %sign3A_69 = arith.extui %sign3A_68 : i1 to i32
      %sign3A_70 = arith.subi %sign3A_66, %sign3A_69 : i32
      %sign3A_71 = arith.constant 0 : i32
      %sign3A_72 = arith.cmpi sgt, %jit3A_62, %sign3A_71 : i32
      %sign3A_73 = arith.extui %sign3A_72 : i1 to i32
      %sign3A_74 = arith.constant 0 : i32
      %sign3A_75 = arith.cmpi slt, %jit3A_62, %sign3A_74 : i32
      %sign3A_76 = arith.extui %sign3A_75 : i1 to i32
      %sign3A_77 = arith.subi %sign3A_73, %sign3A_76 : i32
      %ne3A_78 = arith.cmpi ne, %sign3A_70, %sign3A_77 : i32
      %rem3A_79 = arith.remsi %scan3A_60, %jit3A_62 : i32
      %ne3A_80 = arith.constant 0 : i32
      %ne3A_81 = arith.cmpi ne, %rem3A_79, %ne3A_80 : i32
      %and3A_82 = arith.andi %ne3A_78, %ne3A_81 : i1
      %sub3A_83 = arith.constant 1 : i32
      %sub3A_84 = arith.subi %div3A_63, %sub3A_83 : i32
      %select_n3A_85 = arith.select %and3A_82, %sub3A_84, %div3A_63 : i32
      %jit3A_86 = arith.constant 8 : i32
      %eq3A_87 = arith.constant 0 : i32
      %eq3A_88 = arith.cmpi eq, %jit3A_86, %eq3A_87 : i32
      %jit3A_89 = arith.constant 1 : i32
      %select_n3A_90 = arith.select %eq3A_88, %jit3A_89, %jit3A_86 : i32
      %rem3A_91 = arith.remsi %scan3A_60, %select_n3A_90 : i32
      %ne3A_92 = arith.constant 0 : i32
      %ne3A_93 = arith.cmpi ne, %rem3A_91, %ne3A_92 : i32
      %lt3A = arith.constant 0 : i32
      %lt3A_94 = arith.cmpi slt, %rem3A_91, %lt3A : i32
      %lt3A_95 = arith.constant 0 : i32
      %lt3A_96 = arith.cmpi slt, %select_n3A_90, %lt3A_95 : i32
      %ne3A_97 = arith.xori %lt3A_94, %lt3A_96 : i1
      %and3A_98 = arith.andi %ne3A_97, %ne3A_93 : i1
      %add3A_99 = arith.addi %rem3A_91, %select_n3A_90 : i32
      %select_n3A_100 = arith.select %and3A_98, %add3A_99, %rem3A_91 : i32
      %mul3A_101 = arith.constant 16 : i32
      %mul3A_102 = arith.muli %select_n3A_100, %mul3A_101 : i32
      %swap3A = arith.index_cast %select_n3A_85 : i32 to index
      %swap3A_103 = arith.index_cast %mul3A_102 : i32 to index
      %swap3A_104 = tpu.vector_load %arg10[%swap3A, %swap3A_103] {strides = array<i32>} : memref<128x128xf32, #tpu.memory_space<vmem>>, vector<1x16xf32>,
      %swap3A_105 = vector.shape_cast %swap3A_104 : vector<1x16xf32> to vector<16xf32>
      %swap3A_106 = vector.shape_cast %broadcast_in_dim3A_61 : vector<16xf32> to vector<1x16xf32>
      tpu.vector_store %arg10[%swap3A, %swap3A_103], %swap3A_106 {strides = array<i32>} : memref<128x128xf32, #tpu.memory_space<vmem>>, vector<1x16xf32>,
    }
    %scan3A_12 = arith.constant 1024 : i32
    %mul3A_13 = arith.constant 640 : i32
    %mul3A_14 = arith.muli %arg1, %mul3A_13 : i32
    %add3A_15 = arith.constant 0 : i32
    %add3A_16 = arith.addi %mul3A_14, %add3A_15 : i32
    "tpu.region"() ({
      %run_scoped3A = tpu.sem_alloc : memref<!tpu.dma_semaphore, #tpu.memory_space<semaphore_mem>>
      %dma_start3A_60 = arith.constant 0 : i32
      %dma_start3A_61 = tpu.memref_slice %arg12[%add3A_16, %dma_start3A_60] : memref<10240x128xf32, #tpu.memory_space<vmem_shared>> -> memref<128x128xf32, #tpu.memory_space<vmem_shared>>
      %dma_start3A_62 = arith.constant 0 : i32
      %dma_start3A_63 = tpu.memref_slice %arg12[%add3A_16, %dma_start3A_62] : memref<10240x128xf32, #tpu.memory_space<vmem_shared>> -> memref<128x128xf32, #tpu.memory_space<vmem_shared>>
      tpu.enqueue_dma source(%arg10 : memref<128x128xf32, #tpu.memory_space<vmem>>) target(%dma_start3A_63 : memref<128x128xf32, #tpu.memory_space<vmem_shared>>) target_semaphore(%run_scoped3A : memref<!tpu.dma_semaphore, #tpu.memory_space<semaphore_mem>>)
      %dma_wait3A_64 = arith.constant 0 : i32
      %dma_wait3A_65 = tpu.memref_slice %arg12[%add3A_16, %dma_wait3A_64] : memref<10240x128xf32, #tpu.memory_space<vmem_shared>> -> memref<128x128xf32, #tpu.memory_space<vmem_shared>>
      %dma_wait3A_66 = arith.constant 0 : i32
      %dma_wait3A_67 = tpu.memref_slice %arg12[%add3A_16, %dma_wait3A_66] : memref<10240x128xf32, #tpu.memory_space<vmem_shared>> -> memref<128x128xf32, #tpu.memory_space<vmem_shared>>
      tpu.wait_dma2 semaphore(%run_scoped3A : memref<!tpu.dma_semaphore, #tpu.memory_space<semaphore_mem>>) src(%arg10 : memref<128x128xf32, #tpu.memory_space<vmem>>) dst(%dma_wait3A_67 : memref<128x128xf32, #tpu.memory_space<vmem_shared>>)
      tpu.yield
    }) : () -> ()
    %add3A_17 = arith.constant 128 : i32
    %add3A_18 = arith.addi %mul3A_14, %add3A_17 : i32
    "tpu.region"() ({
      %run_scoped3A = tpu.sem_alloc : memref<!tpu.dma_semaphore, #tpu.memory_space<semaphore_mem>>
      %dma_start3A_60 = arith.constant 0 : i32
      %dma_start3A_61 = tpu.memref_slice %arg12[%add3A_18, %dma_start3A_60] : memref<10240x128xf32, #tpu.memory_space<vmem_shared>> -> memref<128x128xf32, #tpu.memory_space<vmem_shared>>
      %dma_start3A_62 = arith.constant 0 : i32
      %dma_start3A_63 = tpu.memref_slice %arg12[%add3A_18, %dma_start3A_62] : memref<10240x128xf32, #tpu.memory_space<vmem_shared>> -> memref<128x128xf32, #tpu.memory_space<vmem_shared>>
      tpu.enqueue_dma source(%arg10 : memref<128x128xf32, #tpu.memory_space<vmem>>) target(%dma_start3A_63 : memref<128x128xf32, #tpu.memory_space<vmem_shared>>) target_semaphore(%run_scoped3A : memref<!tpu.dma_semaphore, #tpu.memory_space<semaphore_mem>>)
      %dma_wait3A_64 = arith.constant 0 : i32
      %dma_wait3A_65 = tpu.memref_slice %arg12[%add3A_18, %dma_wait3A_64] : memref<10240x128xf32, #tpu.memory_space<vmem_shared>> -> memref<128x128xf32, #tpu.memory_space<vmem_shared>>
      %dma_wait3A_66 = arith.constant 0 : i32
      %dma_wait3A_67 = tpu.memref_slice %arg12[%add3A_18, %dma_wait3A_66] : memref<10240x128xf32, #tpu.memory_space<vmem_shared>> -> memref<128x128xf32, #tpu.memory_space<vmem_shared>>
      tpu.wait_dma2 semaphore(%run_scoped3A : memref<!tpu.dma_semaphore, #tpu.memory_space<semaphore_mem>>) src(%arg10 : memref<128x128xf32, #tpu.memory_space<vmem>>) dst(%dma_wait3A_67 : memref<128x128xf32, #tpu.memory_space<vmem_shared>>)
      tpu.yield
    }) : () -> ()
    %add3A_19 = arith.constant 256 : i32
    %add3A_20 = arith.addi %mul3A_14, %add3A_19 : i32
    "tpu.region"() ({
      %run_scoped3A = tpu.sem_alloc : memref<!tpu.dma_semaphore, #tpu.memory_space<semaphore_mem>>
      %dma_start3A_60 = arith.constant 0 : i32
      %dma_start3A_61 = tpu.memref_slice %arg12[%add3A_20, %dma_start3A_60] : memref<10240x128xf32, #tpu.memory_space<vmem_shared>> -> memref<128x128xf32, #tpu.memory_space<vmem_shared>>
      %dma_start3A_62 = arith.constant 0 : i32
      %dma_start3A_63 = tpu.memref_slice %arg12[%add3A_20, %dma_start3A_62] : memref<10240x128xf32, #tpu.memory_space<vmem_shared>> -> memref<128x128xf32, #tpu.memory_space<vmem_shared>>
      tpu.enqueue_dma source(%arg10 : memref<128x128xf32, #tpu.memory_space<vmem>>) target(%dma_start3A_63 : memref<128x128xf32, #tpu.memory_space<vmem_shared>>) target_semaphore(%run_scoped3A : memref<!tpu.dma_semaphore, #tpu.memory_space<semaphore_mem>>)
      %dma_wait3A_64 = arith.constant 0 : i32
      %dma_wait3A_65 = tpu.memref_slice %arg12[%add3A_20, %dma_wait3A_64] : memref<10240x128xf32, #tpu.memory_space<vmem_shared>> -> memref<128x128xf32, #tpu.memory_space<vmem_shared>>
      %dma_wait3A_66 = arith.constant 0 : i32
      %dma_wait3A_67 = tpu.memref_slice %arg12[%add3A_20, %dma_wait3A_66] : memref<10240x128xf32, #tpu.memory_space<vmem_shared>> -> memref<128x128xf32, #tpu.memory_space<vmem_shared>>
      tpu.wait_dma2 semaphore(%run_scoped3A : memref<!tpu.dma_semaphore, #tpu.memory_space<semaphore_mem>>) src(%arg10 : memref<128x128xf32, #tpu.memory_space<vmem>>) dst(%dma_wait3A_67 : memref<128x128xf32, #tpu.memory_space<vmem_shared>>)
      tpu.yield
    }) : () -> ()
    %add3A_21 = arith.constant 384 : i32
    %add3A_22 = arith.addi %mul3A_14, %add3A_21 : i32
    "tpu.region"() ({
      %run_scoped3A = tpu.sem_alloc : memref<!tpu.dma_semaphore, #tpu.memory_space<semaphore_mem>>
      %dma_start3A_60 = arith.constant 0 : i32
      %dma_start3A_61 = tpu.memref_slice %arg12[%add3A_22, %dma_start3A_60] : memref<10240x128xf32, #tpu.memory_space<vmem_shared>> -> memref<128x128xf32, #tpu.memory_space<vmem_shared>>
      %dma_start3A_62 = arith.constant 0 : i32
      %dma_start3A_63 = tpu.memref_slice %arg12[%add3A_22, %dma_start3A_62] : memref<10240x128xf32, #tpu.memory_space<vmem_shared>> -> memref<128x128xf32, #tpu.memory_space<vmem_shared>>
      tpu.enqueue_dma source(%arg10 : memref<128x128xf32, #tpu.memory_space<vmem>>) target(%dma_start3A_63 : memref<128x128xf32, #tpu.memory_space<vmem_shared>>) target_semaphore(%run_scoped3A : memref<!tpu.dma_semaphore, #tpu.memory_space<semaphore_mem>>)
      %dma_wait3A_64 = arith.constant 0 : i32
      %dma_wait3A_65 = tpu.memref_slice %arg12[%add3A_22, %dma_wait3A_64] : memref<10240x128xf32, #tpu.memory_space<vmem_shared>> -> memref<128x128xf32, #tpu.memory_space<vmem_shared>>
      %dma_wait3A_66 = arith.constant 0 : i32
      %dma_wait3A_67 = tpu.memref_slice %arg12[%add3A_22, %dma_wait3A_66] : memref<10240x128xf32, #tpu.memory_space<vmem_shared>> -> memref<128x128xf32, #tpu.memory_space<vmem_shared>>
      tpu.wait_dma2 semaphore(%run_scoped3A : memref<!tpu.dma_semaphore, #tpu.memory_space<semaphore_mem>>) src(%arg10 : memref<128x128xf32, #tpu.memory_space<vmem>>) dst(%dma_wait3A_67 : memref<128x128xf32, #tpu.memory_space<vmem_shared>>)
      tpu.yield
    }) : () -> ()
    %add3A_23 = arith.constant 512 : i32
    %add3A_24 = arith.addi %mul3A_14, %add3A_23 : i32
    "tpu.region"() ({
      %run_scoped3A = tpu.sem_alloc : memref<!tpu.dma_semaphore, #tpu.memory_space<semaphore_mem>>
      %dma_start3A_60 = arith.constant 0 : i32
      %dma_start3A_61 = tpu.memref_slice %arg12[%add3A_24, %dma_start3A_60] : memref<10240x128xf32, #tpu.memory_space<vmem_shared>> -> memref<128x128xf32, #tpu.memory_space<vmem_shared>>
      %dma_start3A_62 = arith.constant 0 : i32
      %dma_start3A_63 = tpu.memref_slice %arg12[%add3A_24, %dma_start3A_62] : memref<10240x128xf32, #tpu.memory_space<vmem_shared>> -> memref<128x128xf32, #tpu.memory_space<vmem_shared>>
      tpu.enqueue_dma source(%arg10 : memref<128x128xf32, #tpu.memory_space<vmem>>) target(%dma_start3A_63 : memref<128x128xf32, #tpu.memory_space<vmem_shared>>) target_semaphore(%run_scoped3A : memref<!tpu.dma_semaphore, #tpu.memory_space<semaphore_mem>>)
      %dma_wait3A_64 = arith.constant 0 : i32
      %dma_wait3A_65 = tpu.memref_slice %arg12[%add3A_24, %dma_wait3A_64] : memref<10240x128xf32, #tpu.memory_space<vmem_shared>> -> memref<128x128xf32, #tpu.memory_space<vmem_shared>>
      %dma_wait3A_66 = arith.constant 0 : i32
      %dma_wait3A_67 = tpu.memref_slice %arg12[%add3A_24, %dma_wait3A_66] : memref<10240x128xf32, #tpu.memory_space<vmem_shared>> -> memref<128x128xf32, #tpu.memory_space<vmem_shared>>
      tpu.wait_dma2 semaphore(%run_scoped3A : memref<!tpu.dma_semaphore, #tpu.memory_space<semaphore_mem>>) src(%arg10 : memref<128x128xf32, #tpu.memory_space<vmem>>) dst(%dma_wait3A_67 : memref<128x128xf32, #tpu.memory_space<vmem_shared>>)
      tpu.yield
    }) : () -> ()
    %barrier3A = arith.constant 0 : index
    tpu.barrier barrier_id(%barrier3A)
    %mul3A_25 = arith.constant 128 : i32
    %mul3A_26 = arith.muli %select_n3A_8, %mul3A_25 : i32
    %add3A_27 = arith.constant 0 : i32
    %add3A_28 = arith.addi %mul3A_26, %add3A_27 : i32
    "tpu.region"() ({
      %run_scoped3A = tpu.sem_alloc : memref<!tpu.dma_semaphore, #tpu.memory_space<semaphore_mem>>
      %dma_start3A_60 = tpu.memref_slice %arg3[%add3A_28] : memref<327680xi32, #tpu.memory_space<hbm>> -> memref<128xi32, #tpu.memory_space<hbm>>
      %dma_start3A_61 = tpu.memref_slice %arg3[%add3A_28] : memref<327680xi32, #tpu.memory_space<hbm>> -> memref<128xi32, #tpu.memory_space<hbm>>
      tpu.enqueue_dma source(%dma_start3A_61 : memref<128xi32, #tpu.memory_space<hbm>>) target(%arg6 : memref<128xi32, #tpu.memory_space<vmem>>) target_semaphore(%run_scoped3A : memref<!tpu.dma_semaphore, #tpu.memory_space<semaphore_mem>>)
      %dma_wait3A_62 = tpu.memref_slice %arg3[%add3A_28] : memref<327680xi32, #tpu.memory_space<hbm>> -> memref<128xi32, #tpu.memory_space<hbm>>
      %dma_wait3A_63 = tpu.memref_slice %arg3[%add3A_28] : memref<327680xi32, #tpu.memory_space<hbm>> -> memref<128xi32, #tpu.memory_space<hbm>>
      tpu.wait_dma2 semaphore(%run_scoped3A : memref<!tpu.dma_semaphore, #tpu.memory_space<semaphore_mem>>) src(%dma_wait3A_63 : memref<128xi32, #tpu.memory_space<hbm>>) dst(%arg6 : memref<128xi32, #tpu.memory_space<vmem>>)
      tpu.yield
    }) : () -> ()
    "tpu.region"() ({
      %run_scoped3A = tpu.sem_alloc : memref<!tpu.dma_semaphore, #tpu.memory_space<semaphore_mem>>
      %dma_start3A_60 = tpu.memref_slice %arg4[%add3A_28] : memref<327680xi32, #tpu.memory_space<hbm>> -> memref<128xi32, #tpu.memory_space<hbm>>
      %dma_start3A_61 = tpu.memref_slice %arg4[%add3A_28] : memref<327680xi32, #tpu.memory_space<hbm>> -> memref<128xi32, #tpu.memory_space<hbm>>
      tpu.enqueue_dma source(%dma_start3A_61 : memref<128xi32, #tpu.memory_space<hbm>>) target(%arg7 : memref<128xi32, #tpu.memory_space<vmem>>) target_semaphore(%run_scoped3A : memref<!tpu.dma_semaphore, #tpu.memory_space<semaphore_mem>>)
      %dma_wait3A_62 = tpu.memref_slice %arg4[%add3A_28] : memref<327680xi32, #tpu.memory_space<hbm>> -> memref<128xi32, #tpu.memory_space<hbm>>
      %dma_wait3A_63 = tpu.memref_slice %arg4[%add3A_28] : memref<327680xi32, #tpu.memory_space<hbm>> -> memref<128xi32, #tpu.memory_space<hbm>>
      tpu.wait_dma2 semaphore(%run_scoped3A : memref<!tpu.dma_semaphore, #tpu.memory_space<semaphore_mem>>) src(%dma_wait3A_63 : memref<128xi32, #tpu.memory_space<hbm>>) dst(%arg7 : memref<128xi32, #tpu.memory_space<vmem>>)
      tpu.yield
    }) : () -> ()
    %dma_start3A = arith.constant 0 : i32
    %dma_start3A_29 = arith.constant 0 : i32
    %dma_start3A_30 = tpu.memref_slice %arg2[%dma_start3A, %dma_start3A_29] : memref<10000x128xf32, #tpu.memory_space<hbm>> -> memref<10000x128xf32, #tpu.memory_space<hbm>>
    tpu.enqueue_indirect_dma source(%dma_start3A_30 : memref<10000x128xf32, #tpu.memory_space<hbm>>) target(%arg10 : memref<128x128xf32, #tpu.memory_space<vmem>>) offsets(%arg6 : memref<128xi32, #tpu.memory_space<vmem>>) semaphore(%arg13 : memref<!tpu.dma_semaphore, #tpu.memory_space<semaphore_mem>>)
    %jit3A_31 = arith.constant 2 : i32
    %div3A = arith.divsi %select_n3A, %jit3A_31 : i32
    %sign3A = arith.constant 0 : i32
    %sign3A_32 = arith.cmpi sgt, %select_n3A, %sign3A : i32
    %sign3A_33 = arith.extui %sign3A_32 : i1 to i32
    %sign3A_34 = arith.constant 0 : i32
    %sign3A_35 = arith.cmpi slt, %select_n3A, %sign3A_34 : i32
    %sign3A_36 = arith.extui %sign3A_35 : i1 to i32
    %sign3A_37 = arith.subi %sign3A_33, %sign3A_36 : i32
    %sign3A_38 = arith.constant 0 : i32
    %sign3A_39 = arith.cmpi sgt, %jit3A_31, %sign3A_38 : i32
    %sign3A_40 = arith.extui %sign3A_39 : i1 to i32
    %sign3A_41 = arith.constant 0 : i32
    %sign3A_42 = arith.cmpi slt, %jit3A_31, %sign3A_41 : i32
    %sign3A_43 = arith.extui %sign3A_42 : i1 to i32
    %sign3A_44 = arith.subi %sign3A_40, %sign3A_43 : i32
    %ne3A = arith.cmpi ne, %sign3A_37, %sign3A_44 : i32
    %rem3A = arith.remsi %select_n3A, %jit3A_31 : i32
    %ne3A_45 = arith.constant 0 : i32
    %ne3A_46 = arith.cmpi ne, %rem3A, %ne3A_45 : i32
    %and3A = arith.andi %ne3A, %ne3A_46 : i1
    %sub3A = arith.constant 1 : i32
    %sub3A_47 = arith.subi %div3A, %sub3A : i32
    %select_n3A_48 = arith.select %and3A, %sub3A_47, %div3A : i32
    %while3A = arith.constant 0 : i32
    %while3A_49 = arith.subi %select_n3A_48, %while3A : i32
    %while3A_50 = arith.addi %while3A, %while3A_49 : i32
    %while3A_51 = arith.constant 1 : i32
    %while3A_52 = arith.divsi %while3A_49, %while3A_51 : i32
    %while3A_53 = arith.muli %while3A_52, %while3A_51 : i32
    %while3A_54 = arith.addi %while3A, %while3A_53 : i32
    %while3A_55 = arith.constant 1 : i32
    scf.for %while3A_60 = %while3A to %while3A_54 step %while3A_55  : i32 {
      %mul3A_61 = arith.constant 2 : i32
      %mul3A_62 = arith.muli %mul3A_61, %while3A_60 : i32
      %add3A_63 = arith.constant 1 : i32
      %add3A_64 = arith.addi %mul3A_62, %add3A_63 : i32
      %mul3A_65 = arith.constant 128 : i32
      %mul3A_66 = arith.muli %add3A_64, %mul3A_65 : i32
      %add3A_67 = arith.addi %mul3A_26, %mul3A_66 : i32
      "tpu.region"() ({
        %run_scoped3A = tpu.sem_alloc : memref<!tpu.dma_semaphore, #tpu.memory_space<semaphore_mem>>
        %dma_start3A_99 = tpu.memref_slice %arg3[%add3A_67] : memref<327680xi32, #tpu.memory_space<hbm>> -> memref<128xi32, #tpu.memory_space<hbm>>
        %dma_start3A_100 = tpu.memref_slice %arg3[%add3A_67] : memref<327680xi32, #tpu.memory_space<hbm>> -> memref<128xi32, #tpu.memory_space<hbm>>
        tpu.enqueue_dma source(%dma_start3A_100 : memref<128xi32, #tpu.memory_space<hbm>>) target(%arg8 : memref<128xi32, #tpu.memory_space<vmem>>) target_semaphore(%run_scoped3A : memref<!tpu.dma_semaphore, #tpu.memory_space<semaphore_mem>>)
        %dma_wait3A_101 = tpu.memref_slice %arg3[%add3A_67] : memref<327680xi32, #tpu.memory_space<hbm>> -> memref<128xi32, #tpu.memory_space<hbm>>
        %dma_wait3A_102 = tpu.memref_slice %arg3[%add3A_67] : memref<327680xi32, #tpu.memory_space<hbm>> -> memref<128xi32, #tpu.memory_space<hbm>>
        tpu.wait_dma2 semaphore(%run_scoped3A : memref<!tpu.dma_semaphore, #tpu.memory_space<semaphore_mem>>) src(%dma_wait3A_102 : memref<128xi32, #tpu.memory_space<hbm>>) dst(%arg8 : memref<128xi32, #tpu.memory_space<vmem>>)
        tpu.yield
      }) : () -> ()
      "tpu.region"() ({
        %run_scoped3A = tpu.sem_alloc : memref<!tpu.dma_semaphore, #tpu.memory_space<semaphore_mem>>
        %dma_start3A_99 = tpu.memref_slice %arg4[%add3A_67] : memref<327680xi32, #tpu.memory_space<hbm>> -> memref<128xi32, #tpu.memory_space<hbm>>
        %dma_start3A_100 = tpu.memref_slice %arg4[%add3A_67] : memref<327680xi32, #tpu.memory_space<hbm>> -> memref<128xi32, #tpu.memory_space<hbm>>
        tpu.enqueue_dma source(%dma_start3A_100 : memref<128xi32, #tpu.memory_space<hbm>>) target(%arg9 : memref<128xi32, #tpu.memory_space<vmem>>) target_semaphore(%run_scoped3A : memref<!tpu.dma_semaphore, #tpu.memory_space<semaphore_mem>>)
        %dma_wait3A_101 = tpu.memref_slice %arg4[%add3A_67] : memref<327680xi32, #tpu.memory_space<hbm>> -> memref<128xi32, #tpu.memory_space<hbm>>
        %dma_wait3A_102 = tpu.memref_slice %arg4[%add3A_67] : memref<327680xi32, #tpu.memory_space<hbm>> -> memref<128xi32, #tpu.memory_space<hbm>>
        tpu.wait_dma2 semaphore(%run_scoped3A : memref<!tpu.dma_semaphore, #tpu.memory_space<semaphore_mem>>) src(%dma_wait3A_102 : memref<128xi32, #tpu.memory_space<hbm>>) dst(%arg9 : memref<128xi32, #tpu.memory_space<vmem>>)
        tpu.yield
      }) : () -> ()
      %dma_wait3A_68 = arith.constant 0 : i32
      %dma_wait3A_69 = arith.constant 0 : i32
      %dma_wait3A_70 = tpu.memref_slice %arg2[%dma_wait3A_68, %dma_wait3A_69] : memref<10000x128xf32, #tpu.memory_space<hbm>> -> memref<10000x128xf32, #tpu.memory_space<hbm>>
      tpu.wait_indirect_dma semaphore(%arg13 : memref<!tpu.dma_semaphore, #tpu.memory_space<semaphore_mem>>) src(%dma_wait3A_70 : memref<10000x128xf32, #tpu.memory_space<hbm>>) dst(%arg10 : memref<128x128xf32, #tpu.memory_space<vmem>>)
      %dma_start3A_71 = arith.constant 0 : i32
      %dma_start3A_72 = arith.constant 0 : i32
      %dma_start3A_73 = tpu.memref_slice %arg12[%dma_start3A_71, %dma_start3A_72] : memref<10240x128xf32, #tpu.memory_space<vmem_shared>> -> memref<10240x128xf32, #tpu.memory_space<vmem_shared>>
      tpu.enqueue_indirect_dma source(%arg10 : memref<128x128xf32, #tpu.memory_space<vmem>>) target(%dma_start3A_73 : memref<10240x128xf32, #tpu.memory_space<vmem_shared>>) offsets(%arg7 : memref<128xi32, #tpu.memory_space<vmem>>) semaphore(%arg15 : memref<!tpu.dma_semaphore, #tpu.memory_space<semaphore_mem>>) {add = true}
      %dma_start3A_74 = arith.constant 0 : i32
      %dma_start3A_75 = arith.constant 0 : i32
      %dma_start3A_76 = tpu.memref_slice %arg2[%dma_start3A_74, %dma_start3A_75] : memref<10000x128xf32, #tpu.memory_space<hbm>> -> memref<10000x128xf32, #tpu.memory_space<hbm>>
      tpu.enqueue_indirect_dma source(%dma_start3A_76 : memref<10000x128xf32, #tpu.memory_space<hbm>>) target(%arg11 : memref<128x128xf32, #tpu.memory_space<vmem>>) offsets(%arg8 : memref<128xi32, #tpu.memory_space<vmem>>) semaphore(%arg14 : memref<!tpu.dma_semaphore, #tpu.memory_space<semaphore_mem>>)
      %dma_wait3A_77 = arith.constant 0 : i32
      %dma_wait3A_78 = arith.constant 0 : i32
      %dma_wait3A_79 = tpu.memref_slice %arg12[%dma_wait3A_77, %dma_wait3A_78] : memref<10240x128xf32, #tpu.memory_space<vmem_shared>> -> memref<10240x128xf32, #tpu.memory_space<vmem_shared>>
      tpu.wait_indirect_dma semaphore(%arg15 : memref<!tpu.dma_semaphore, #tpu.memory_space<semaphore_mem>>) src(%arg10 : memref<128x128xf32, #tpu.memory_space<vmem>>) dst(%dma_wait3A_79 : memref<10240x128xf32, #tpu.memory_space<vmem_shared>>)
      %add3A_80 = arith.constant 2 : i32
      %add3A_81 = arith.addi %mul3A_62, %add3A_80 : i32
      %sub3A_82 = arith.constant 1 : i32
      %sub3A_83 = arith.subi %select_n3A, %sub3A_82 : i32
      %min3A = arith.minsi %add3A_81, %sub3A_83 : i32
      %mul3A_84 = arith.constant 128 : i32
      %mul3A_85 = arith.muli %min3A, %mul3A_84 : i32
      %add3A_86 = arith.addi %mul3A_26, %mul3A_85 : i32
      "tpu.region"() ({
        %run_scoped3A = tpu.sem_alloc : memref<!tpu.dma_semaphore, #tpu.memory_space<semaphore_mem>>
        %dma_start3A_99 = tpu.memref_slice %arg3[%add3A_86] : memref<327680xi32, #tpu.memory_space<hbm>> -> memref<128xi32, #tpu.memory_space<hbm>>
        %dma_start3A_100 = tpu.memref_slice %arg3[%add3A_86] : memref<327680xi32, #tpu.memory_space<hbm>> -> memref<128xi32, #tpu.memory_space<hbm>>
        tpu.enqueue_dma source(%dma_start3A_100 : memref<128xi32, #tpu.memory_space<hbm>>) target(%arg6 : memref<128xi32, #tpu.memory_space<vmem>>) target_semaphore(%run_scoped3A : memref<!tpu.dma_semaphore, #tpu.memory_space<semaphore_mem>>)
        %dma_wait3A_101 = tpu.memref_slice %arg3[%add3A_86] : memref<327680xi32, #tpu.memory_space<hbm>> -> memref<128xi32, #tpu.memory_space<hbm>>
        %dma_wait3A_102 = tpu.memref_slice %arg3[%add3A_86] : memref<327680xi32, #tpu.memory_space<hbm>> -> memref<128xi32, #tpu.memory_space<hbm>>
        tpu.wait_dma2 semaphore(%run_scoped3A : memref<!tpu.dma_semaphore, #tpu.memory_space<semaphore_mem>>) src(%dma_wait3A_102 : memref<128xi32, #tpu.memory_space<hbm>>) dst(%arg6 : memref<128xi32, #tpu.memory_space<vmem>>)
        tpu.yield
      }) : () -> ()
      "tpu.region"() ({
        %run_scoped3A = tpu.sem_alloc : memref<!tpu.dma_semaphore, #tpu.memory_space<semaphore_mem>>
        %dma_start3A_99 = tpu.memref_slice %arg4[%add3A_86] : memref<327680xi32, #tpu.memory_space<hbm>> -> memref<128xi32, #tpu.memory_space<hbm>>
        %dma_start3A_100 = tpu.memref_slice %arg4[%add3A_86] : memref<327680xi32, #tpu.memory_space<hbm>> -> memref<128xi32, #tpu.memory_space<hbm>>
        tpu.enqueue_dma source(%dma_start3A_100 : memref<128xi32, #tpu.memory_space<hbm>>) target(%arg7 : memref<128xi32, #tpu.memory_space<vmem>>) target_semaphore(%run_scoped3A : memref<!tpu.dma_semaphore, #tpu.memory_space<semaphore_mem>>)
        %dma_wait3A_101 = tpu.memref_slice %arg4[%add3A_86] : memref<327680xi32, #tpu.memory_space<hbm>> -> memref<128xi32, #tpu.memory_space<hbm>>
        %dma_wait3A_102 = tpu.memref_slice %arg4[%add3A_86] : memref<327680xi32, #tpu.memory_space<hbm>> -> memref<128xi32, #tpu.memory_space<hbm>>
        tpu.wait_dma2 semaphore(%run_scoped3A : memref<!tpu.dma_semaphore, #tpu.memory_space<semaphore_mem>>) src(%dma_wait3A_102 : memref<128xi32, #tpu.memory_space<hbm>>) dst(%arg7 : memref<128xi32, #tpu.memory_space<vmem>>)
        tpu.yield
      }) : () -> ()
      %dma_start3A_87 = arith.constant 0 : i32
      %dma_start3A_88 = arith.constant 0 : i32
      %dma_start3A_89 = tpu.memref_slice %arg2[%dma_start3A_87, %dma_start3A_88] : memref<10000x128xf32, #tpu.memory_space<hbm>> -> memref<10000x128xf32, #tpu.memory_space<hbm>>
      tpu.enqueue_indirect_dma source(%dma_start3A_89 : memref<10000x128xf32, #tpu.memory_space<hbm>>) target(%arg10 : memref<128x128xf32, #tpu.memory_space<vmem>>) offsets(%arg6 : memref<128xi32, #tpu.memory_space<vmem>>) semaphore(%arg13 : memref<!tpu.dma_semaphore, #tpu.memory_space<semaphore_mem>>)
      %dma_wait3A_90 = arith.constant 0 : i32
      %dma_wait3A_91 = arith.constant 0 : i32
      %dma_wait3A_92 = tpu.memref_slice %arg2[%dma_wait3A_90, %dma_wait3A_91] : memref<10000x128xf32, #tpu.memory_space<hbm>> -> memref<10000x128xf32, #tpu.memory_space<hbm>>
      tpu.wait_indirect_dma semaphore(%arg14 : memref<!tpu.dma_semaphore, #tpu.memory_space<semaphore_mem>>) src(%dma_wait3A_92 : memref<10000x128xf32, #tpu.memory_space<hbm>>) dst(%arg11 : memref<128x128xf32, #tpu.memory_space<vmem>>)
      %dma_start3A_93 = arith.constant 0 : i32
      %dma_start3A_94 = arith.constant 0 : i32
      %dma_start3A_95 = tpu.memref_slice %arg12[%dma_start3A_93, %dma_start3A_94] : memref<10240x128xf32, #tpu.memory_space<vmem_shared>> -> memref<10240x128xf32, #tpu.memory_space<vmem_shared>>
      tpu.enqueue_indirect_dma source(%arg11 : memref<128x128xf32, #tpu.memory_space<vmem>>) target(%dma_start3A_95 : memref<10240x128xf32, #tpu.memory_space<vmem_shared>>) offsets(%arg9 : memref<128xi32, #tpu.memory_space<vmem>>) semaphore(%arg16 : memref<!tpu.dma_semaphore, #tpu.memory_space<semaphore_mem>>) {add = true}
      %dma_wait3A_96 = arith.constant 0 : i32
      %dma_wait3A_97 = arith.constant 0 : i32
      %dma_wait3A_98 = tpu.memref_slice %arg12[%dma_wait3A_96, %dma_wait3A_97] : memref<10240x128xf32, #tpu.memory_space<vmem_shared>> -> memref<10240x128xf32, #tpu.memory_space<vmem_shared>>
      tpu.wait_indirect_dma semaphore(%arg16 : memref<!tpu.dma_semaphore, #tpu.memory_space<semaphore_mem>>) src(%arg11 : memref<128x128xf32, #tpu.memory_space<vmem>>) dst(%dma_wait3A_98 : memref<10240x128xf32, #tpu.memory_space<vmem_shared>>)
    }
    %while3A_56 = arith.constant 1 : i32
    scf.for %while3A_60 = %while3A_54 to %while3A_50 step %while3A_56  : i32 {
      %mul3A_61 = arith.constant 2 : i32
      %mul3A_62 = arith.muli %mul3A_61, %while3A_60 : i32
      %add3A_63 = arith.constant 1 : i32
      %add3A_64 = arith.addi %mul3A_62, %add3A_63 : i32
      %mul3A_65 = arith.constant 128 : i32
      %mul3A_66 = arith.muli %add3A_64, %mul3A_65 : i32
      %add3A_67 = arith.addi %mul3A_26, %mul3A_66 : i32
      "tpu.region"() ({
        %run_scoped3A = tpu.sem_alloc : memref<!tpu.dma_semaphore, #tpu.memory_space<semaphore_mem>>
        %dma_start3A_99 = tpu.memref_slice %arg3[%add3A_67] : memref<327680xi32, #tpu.memory_space<hbm>> -> memref<128xi32, #tpu.memory_space<hbm>>
        %dma_start3A_100 = tpu.memref_slice %arg3[%add3A_67] : memref<327680xi32, #tpu.memory_space<hbm>> -> memref<128xi32, #tpu.memory_space<hbm>>
        tpu.enqueue_dma source(%dma_start3A_100 : memref<128xi32, #tpu.memory_space<hbm>>) target(%arg8 : memref<128xi32, #tpu.memory_space<vmem>>) target_semaphore(%run_scoped3A : memref<!tpu.dma_semaphore, #tpu.memory_space<semaphore_mem>>)
        %dma_wait3A_101 = tpu.memref_slice %arg3[%add3A_67] : memref<327680xi32, #tpu.memory_space<hbm>> -> memref<128xi32, #tpu.memory_space<hbm>>
        %dma_wait3A_102 = tpu.memref_slice %arg3[%add3A_67] : memref<327680xi32, #tpu.memory_space<hbm>> -> memref<128xi32, #tpu.memory_space<hbm>>
        tpu.wait_dma2 semaphore(%run_scoped3A : memref<!tpu.dma_semaphore, #tpu.memory_space<semaphore_mem>>) src(%dma_wait3A_102 : memref<128xi32, #tpu.memory_space<hbm>>) dst(%arg8 : memref<128xi32, #tpu.memory_space<vmem>>)
        tpu.yield
      }) : () -> ()
      "tpu.region"() ({
        %run_scoped3A = tpu.sem_alloc : memref<!tpu.dma_semaphore, #tpu.memory_space<semaphore_mem>>
        %dma_start3A_99 = tpu.memref_slice %arg4[%add3A_67] : memref<327680xi32, #tpu.memory_space<hbm>> -> memref<128xi32, #tpu.memory_space<hbm>>
        %dma_start3A_100 = tpu.memref_slice %arg4[%add3A_67] : memref<327680xi32, #tpu.memory_space<hbm>> -> memref<128xi32, #tpu.memory_space<hbm>>
        tpu.enqueue_dma source(%dma_start3A_100 : memref<128xi32, #tpu.memory_space<hbm>>) target(%arg9 : memref<128xi32, #tpu.memory_space<vmem>>) target_semaphore(%run_scoped3A : memref<!tpu.dma_semaphore, #tpu.memory_space<semaphore_mem>>)
        %dma_wait3A_101 = tpu.memref_slice %arg4[%add3A_67] : memref<327680xi32, #tpu.memory_space<hbm>> -> memref<128xi32, #tpu.memory_space<hbm>>
        %dma_wait3A_102 = tpu.memref_slice %arg4[%add3A_67] : memref<327680xi32, #tpu.memory_space<hbm>> -> memref<128xi32, #tpu.memory_space<hbm>>
        tpu.wait_dma2 semaphore(%run_scoped3A : memref<!tpu.dma_semaphore, #tpu.memory_space<semaphore_mem>>) src(%dma_wait3A_102 : memref<128xi32, #tpu.memory_space<hbm>>) dst(%arg9 : memref<128xi32, #tpu.memory_space<vmem>>)
        tpu.yield
      }) : () -> ()
      %dma_wait3A_68 = arith.constant 0 : i32
      %dma_wait3A_69 = arith.constant 0 : i32
      %dma_wait3A_70 = tpu.memref_slice %arg2[%dma_wait3A_68, %dma_wait3A_69] : memref<10000x128xf32, #tpu.memory_space<hbm>> -> memref<10000x128xf32, #tpu.memory_space<hbm>>
      tpu.wait_indirect_dma semaphore(%arg13 : memref<!tpu.dma_semaphore, #tpu.memory_space<semaphore_mem>>) src(%dma_wait3A_70 : memref<10000x128xf32, #tpu.memory_space<hbm>>) dst(%arg10 : memref<128x128xf32, #tpu.memory_space<vmem>>)
      %dma_start3A_71 = arith.constant 0 : i32
      %dma_start3A_72 = arith.constant 0 : i32
      %dma_start3A_73 = tpu.memref_slice %arg12[%dma_start3A_71, %dma_start3A_72] : memref<10240x128xf32, #tpu.memory_space<vmem_shared>> -> memref<10240x128xf32, #tpu.memory_space<vmem_shared>>
      tpu.enqueue_indirect_dma source(%arg10 : memref<128x128xf32, #tpu.memory_space<vmem>>) target(%dma_start3A_73 : memref<10240x128xf32, #tpu.memory_space<vmem_shared>>) offsets(%arg7 : memref<128xi32, #tpu.memory_space<vmem>>) semaphore(%arg15 : memref<!tpu.dma_semaphore, #tpu.memory_space<semaphore_mem>>) {add = true}
      %dma_start3A_74 = arith.constant 0 : i32
      %dma_start3A_75 = arith.constant 0 : i32
      %dma_start3A_76 = tpu.memref_slice %arg2[%dma_start3A_74, %dma_start3A_75] : memref<10000x128xf32, #tpu.memory_space<hbm>> -> memref<10000x128xf32, #tpu.memory_space<hbm>>
      tpu.enqueue_indirect_dma source(%dma_start3A_76 : memref<10000x128xf32, #tpu.memory_space<hbm>>) target(%arg11 : memref<128x128xf32, #tpu.memory_space<vmem>>) offsets(%arg8 : memref<128xi32, #tpu.memory_space<vmem>>) semaphore(%arg14 : memref<!tpu.dma_semaphore, #tpu.memory_space<semaphore_mem>>)
      %dma_wait3A_77 = arith.constant 0 : i32
      %dma_wait3A_78 = arith.constant 0 : i32
      %dma_wait3A_79 = tpu.memref_slice %arg12[%dma_wait3A_77, %dma_wait3A_78] : memref<10240x128xf32, #tpu.memory_space<vmem_shared>> -> memref<10240x128xf32, #tpu.memory_space<vmem_shared>>
      tpu.wait_indirect_dma semaphore(%arg15 : memref<!tpu.dma_semaphore, #tpu.memory_space<semaphore_mem>>) src(%arg10 : memref<128x128xf32, #tpu.memory_space<vmem>>) dst(%dma_wait3A_79 : memref<10240x128xf32, #tpu.memory_space<vmem_shared>>)
      %add3A_80 = arith.constant 2 : i32
      %add3A_81 = arith.addi %mul3A_62, %add3A_80 : i32
      %sub3A_82 = arith.constant 1 : i32
      %sub3A_83 = arith.subi %select_n3A, %sub3A_82 : i32
      %min3A = arith.minsi %add3A_81, %sub3A_83 : i32
      %mul3A_84 = arith.constant 128 : i32
      %mul3A_85 = arith.muli %min3A, %mul3A_84 : i32
      %add3A_86 = arith.addi %mul3A_26, %mul3A_85 : i32
      "tpu.region"() ({
        %run_scoped3A = tpu.sem_alloc : memref<!tpu.dma_semaphore, #tpu.memory_space<semaphore_mem>>
        %dma_start3A_99 = tpu.memref_slice %arg3[%add3A_86] : memref<327680xi32, #tpu.memory_space<hbm>> -> memref<128xi32, #tpu.memory_space<hbm>>
        %dma_start3A_100 = tpu.memref_slice %arg3[%add3A_86] : memref<327680xi32, #tpu.memory_space<hbm>> -> memref<128xi32, #tpu.memory_space<hbm>>
        tpu.enqueue_dma source(%dma_start3A_100 : memref<128xi32, #tpu.memory_space<hbm>>) target(%arg6 : memref<128xi32, #tpu.memory_space<vmem>>) target_semaphore(%run_scoped3A : memref<!tpu.dma_semaphore, #tpu.memory_space<semaphore_mem>>)
        %dma_wait3A_101 = tpu.memref_slice %arg3[%add3A_86] : memref<327680xi32, #tpu.memory_space<hbm>> -> memref<128xi32, #tpu.memory_space<hbm>>
        %dma_wait3A_102 = tpu.memref_slice %arg3[%add3A_86] : memref<327680xi32, #tpu.memory_space<hbm>> -> memref<128xi32, #tpu.memory_space<hbm>>
        tpu.wait_dma2 semaphore(%run_scoped3A : memref<!tpu.dma_semaphore, #tpu.memory_space<semaphore_mem>>) src(%dma_wait3A_102 : memref<128xi32, #tpu.memory_space<hbm>>) dst(%arg6 : memref<128xi32, #tpu.memory_space<vmem>>)
        tpu.yield
      }) : () -> ()
      "tpu.region"() ({
        %run_scoped3A = tpu.sem_alloc : memref<!tpu.dma_semaphore, #tpu.memory_space<semaphore_mem>>
        %dma_start3A_99 = tpu.memref_slice %arg4[%add3A_86] : memref<327680xi32, #tpu.memory_space<hbm>> -> memref<128xi32, #tpu.memory_space<hbm>>
        %dma_start3A_100 = tpu.memref_slice %arg4[%add3A_86] : memref<327680xi32, #tpu.memory_space<hbm>> -> memref<128xi32, #tpu.memory_space<hbm>>
        tpu.enqueue_dma source(%dma_start3A_100 : memref<128xi32, #tpu.memory_space<hbm>>) target(%arg7 : memref<128xi32, #tpu.memory_space<vmem>>) target_semaphore(%run_scoped3A : memref<!tpu.dma_semaphore, #tpu.memory_space<semaphore_mem>>)
        %dma_wait3A_101 = tpu.memref_slice %arg4[%add3A_86] : memref<327680xi32, #tpu.memory_space<hbm>> -> memref<128xi32, #tpu.memory_space<hbm>>
        %dma_wait3A_102 = tpu.memref_slice %arg4[%add3A_86] : memref<327680xi32, #tpu.memory_space<hbm>> -> memref<128xi32, #tpu.memory_space<hbm>>
        tpu.wait_dma2 semaphore(%run_scoped3A : memref<!tpu.dma_semaphore, #tpu.memory_space<semaphore_mem>>) src(%dma_wait3A_102 : memref<128xi32, #tpu.memory_space<hbm>>) dst(%arg7 : memref<128xi32, #tpu.memory_space<vmem>>)
        tpu.yield
      }) : () -> ()
      %dma_start3A_87 = arith.constant 0 : i32
      %dma_start3A_88 = arith.constant 0 : i32
      %dma_start3A_89 = tpu.memref_slice %arg2[%dma_start3A_87, %dma_start3A_88] : memref<10000x128xf32, #tpu.memory_space<hbm>> -> memref<10000x128xf32, #tpu.memory_space<hbm>>
      tpu.enqueue_indirect_dma source(%dma_start3A_89 : memref<10000x128xf32, #tpu.memory_space<hbm>>) target(%arg10 : memref<128x128xf32, #tpu.memory_space<vmem>>) offsets(%arg6 : memref<128xi32, #tpu.memory_space<vmem>>) semaphore(%arg13 : memref<!tpu.dma_semaphore, #tpu.memory_space<semaphore_mem>>)
      %dma_wait3A_90 = arith.constant 0 : i32
      %dma_wait3A_91 = arith.constant 0 : i32
      %dma_wait3A_92 = tpu.memref_slice %arg2[%dma_wait3A_90, %dma_wait3A_91] : memref<10000x128xf32, #tpu.memory_space<hbm>> -> memref<10000x128xf32, #tpu.memory_space<hbm>>
      tpu.wait_indirect_dma semaphore(%arg14 : memref<!tpu.dma_semaphore, #tpu.memory_space<semaphore_mem>>) src(%dma_wait3A_92 : memref<10000x128xf32, #tpu.memory_space<hbm>>) dst(%arg11 : memref<128x128xf32, #tpu.memory_space<vmem>>)
      %dma_start3A_93 = arith.constant 0 : i32
      %dma_start3A_94 = arith.constant 0 : i32
      %dma_start3A_95 = tpu.memref_slice %arg12[%dma_start3A_93, %dma_start3A_94] : memref<10240x128xf32, #tpu.memory_space<vmem_shared>> -> memref<10240x128xf32, #tpu.memory_space<vmem_shared>>
      tpu.enqueue_indirect_dma source(%arg11 : memref<128x128xf32, #tpu.memory_space<vmem>>) target(%dma_start3A_95 : memref<10240x128xf32, #tpu.memory_space<vmem_shared>>) offsets(%arg9 : memref<128xi32, #tpu.memory_space<vmem>>) semaphore(%arg16 : memref<!tpu.dma_semaphore, #tpu.memory_space<semaphore_mem>>) {add = true}
      %dma_wait3A_96 = arith.constant 0 : i32
      %dma_wait3A_97 = arith.constant 0 : i32
      %dma_wait3A_98 = tpu.memref_slice %arg12[%dma_wait3A_96, %dma_wait3A_97] : memref<10240x128xf32, #tpu.memory_space<vmem_shared>> -> memref<10240x128xf32, #tpu.memory_space<vmem_shared>>
      tpu.wait_indirect_dma semaphore(%arg16 : memref<!tpu.dma_semaphore, #tpu.memory_space<semaphore_mem>>) src(%arg11 : memref<128x128xf32, #tpu.memory_space<vmem>>) dst(%dma_wait3A_98 : memref<10240x128xf32, #tpu.memory_space<vmem_shared>>)
    }
    %dma_wait3A = arith.constant 0 : i32
    %dma_wait3A_57 = arith.constant 0 : i32
    %dma_wait3A_58 = tpu.memref_slice %arg2[%dma_wait3A, %dma_wait3A_57] : memref<10000x128xf32, #tpu.memory_space<hbm>> -> memref<10000x128xf32, #tpu.memory_space<hbm>>
    tpu.wait_indirect_dma semaphore(%arg13 : memref<!tpu.dma_semaphore, #tpu.memory_space<semaphore_mem>>) src(%dma_wait3A_58 : memref<10000x128xf32, #tpu.memory_space<hbm>>) dst(%arg10 : memref<128x128xf32, #tpu.memory_space<vmem>>)
    %barrier3A_59 = arith.constant 0 : index
    tpu.barrier barrier_id(%barrier3A_59)
    "tpu.region"() ({
      %run_scoped3A = tpu.sem_alloc : memref<!tpu.dma_semaphore, #tpu.memory_space<semaphore_mem>>
      %dma_start3A_60 = arith.constant 0 : i32
      %dma_start3A_61 = tpu.memref_slice %arg5[%arg0, %mul3A_14, %dma_start3A_60] : memref<2x10240x128xf32, #tpu.memory_space<hbm>> -> memref<1x640x128xf32, #tpu.memory_space<hbm>>
      %dma_start3A_62 = tpu.memref_squeeze %dma_start3A_61 : memref<1x640x128xf32, #tpu.memory_space<hbm>> -> memref<640x128xf32, #tpu.memory_space<hbm>>
      %dma_start3A_63 = arith.constant 0 : i32
      %dma_start3A_64 = tpu.memref_slice %arg12[%mul3A_14, %dma_start3A_63] : memref<10240x128xf32, #tpu.memory_space<vmem_shared>> -> memref<640x128xf32, #tpu.memory_space<vmem_shared>>
      tpu.enqueue_dma source(%dma_start3A_64 : memref<640x128xf32, #tpu.memory_space<vmem_shared>>) target(%dma_start3A_62 : memref<640x128xf32, #tpu.memory_space<hbm>>) target_semaphore(%run_scoped3A : memref<!tpu.dma_semaphore, #tpu.memory_space<semaphore_mem>>)
      %dma_wait3A_65 = arith.constant 0 : i32
      %dma_wait3A_66 = tpu.memref_slice %arg5[%arg0, %mul3A_14, %dma_wait3A_65] : memref<2x10240x128xf32, #tpu.memory_space<hbm>> -> memref<1x640x128xf32, #tpu.memory_space<hbm>>
      %dma_wait3A_67 = tpu.memref_squeeze %dma_wait3A_66 : memref<1x640x128xf32, #tpu.memory_space<hbm>> -> memref<640x128xf32, #tpu.memory_space<hbm>>
      %dma_wait3A_68 = arith.constant 0 : i32
      %dma_wait3A_69 = tpu.memref_slice %arg12[%mul3A_14, %dma_wait3A_68] : memref<10240x128xf32, #tpu.memory_space<vmem_shared>> -> memref<640x128xf32, #tpu.memory_space<vmem_shared>>
      tpu.wait_dma2 semaphore(%run_scoped3A : memref<!tpu.dma_semaphore, #tpu.memory_space<semaphore_mem>>) src(%dma_wait3A_69 : memref<640x128xf32, #tpu.memory_space<vmem_shared>>) dst(%dma_wait3A_67 : memref<640x128xf32, #tpu.memory_space<hbm>>)
      tpu.yield
    }) : () -> ()
    return
  }
}

module attributes {stable_mosaic.version = 14 : i64} {
  func.func @_combine_body(%arg0: i32, %arg1: memref<1x1000x128xf32, #tpu.memory_space<vmem>>, %arg2: memref<1x1000x128xf32, #tpu.memory_space<vmem>>, %arg3: memref<1x128xf32, #tpu.memory_space<vmem>>, %arg4: memref<1000x128xf32, #tpu.memory_space<vmem>>) attributes {dimension_semantics = [#tpu.dimension_semantics<arbitrary>], iteration_bounds = array<i64: 10>, scalar_prefetch = 0 : i64, scratch_operands = 0 : i64, tpu.core_type = #tpu.core_type<tc>, window_params = [{transform_indices = @transform_0, window_bounds = array<i64: 1, 1000, 128>}, {transform_indices = @transform_1, window_bounds = array<i64: 1, 1000, 128>}, {pipeline_mode = #tpu.pipeline_mode<synchronous>, transform_indices = @transform_2, window_bounds = array<i64: 1, 128>}, {transform_indices = @transform_3, window_bounds = array<i64: 1000, 128>}]} {
    %get3A = arith.constant 0 : index
    %get3A_0 = arith.constant 0 : index
    %get3A_1 = arith.constant 0 : index
    %get3A_2 = vector.load %arg1[%get3A, %get3A_0, %get3A_1] : memref<1x1000x128xf32, #tpu.memory_space<vmem>>, vector<1x1000x128xf32>
    %get3A_3 = vector.shape_cast %get3A_2 : vector<1x1000x128xf32> to vector<1000x128xf32>
    %get3A_4 = arith.constant 0 : index
    %get3A_5 = arith.constant 0 : index
    %get3A_6 = arith.constant 0 : index
    %get3A_7 = vector.load %arg2[%get3A_4, %get3A_5, %get3A_6] : memref<1x1000x128xf32, #tpu.memory_space<vmem>>, vector<1x1000x128xf32>
    %get3A_8 = vector.shape_cast %get3A_7 : vector<1x1000x128xf32> to vector<1000x128xf32>
    %add3A = arith.addf %get3A_3, %get3A_8 : vector<1000x128xf32>
    %get3A_9 = arith.constant 0 : index
    %get3A_10 = arith.constant 0 : index
    %get3A_11 = vector.load %arg3[%get3A_9, %get3A_10] : memref<1x128xf32, #tpu.memory_space<vmem>>, vector<1x128xf32>
    %mul3A = vector.broadcast %get3A_11 : vector<1x128xf32> to vector<1000x128xf32>
    %mul3A_12 = arith.mulf %add3A, %mul3A : vector<1000x128xf32>
    %swap3A = arith.constant 0 : index
    %swap3A_13 = arith.constant 0 : index
    %swap3A_14 = vector.load %arg4[%swap3A, %swap3A_13] : memref<1000x128xf32, #tpu.memory_space<vmem>>, vector<1000x128xf32>
    tpu.vector_store %arg4[%swap3A, %swap3A_13], %mul3A_12 {strides = array<i32>} : memref<1000x128xf32, #tpu.memory_space<vmem>>, vector<1000x128xf32>,
    return
  }
  func.func @transform_0(%arg0: i32) -> (i32, i32, i32) {
    %c0_i32 = arith.constant 0 : i32
    %c0_i32_0 = arith.constant 0 : i32
    %c0_i32_1 = arith.constant 0 : i32
    return %c0_i32, %arg0, %c0_i32_0 : i32, i32, i32
  }
  func.func @transform_1(%arg0: i32) -> (i32, i32, i32) {
    %c1_i32 = arith.constant 1 : i32
    %c0_i32 = arith.constant 0 : i32
    %c0_i32_0 = arith.constant 0 : i32
    return %c1_i32, %arg0, %c0_i32 : i32, i32, i32
  }
  func.func @transform_2(%arg0: i32) -> (i32, i32) {
    %c0_i32 = arith.constant 0 : i32
    %c0_i32_0 = arith.constant 0 : i32
    %c0_i32_1 = arith.constant 0 : i32
    return %c0_i32, %c0_i32_0 : i32, i32
  }
  func.func @transform_3(%arg0: i32) -> (i32, i32) {
    %c0_i32 = arith.constant 0 : i32
    %c0_i32_0 = arith.constant 0 : i32
    return %arg0, %c0_i32 : i32, i32
  }
}

</mosaic_0001>

<sc_bundles>
// kernel: kernel.4.cloned.1.call-start
scs
__scs_entry_jumppad:
0x0: {  	(pc) =	sbr.rel $0x88, $3  }
0x1: {  	(tag) =	ssettag $0x0;
	lr =	simm.s32 $0x1  }
0x2: {  	[smem:$0x3F9E] =	sst lr;
	_ =	strace $0xD0000000  }
0x3: {  	_ = 	snop  }
0x4: {  	_ = 	snop  }
0x5: {  	_ = 	snop  }
0x6: {  	_ = 	snop  }
0x7: {  	_ = 	snop  }
__scs_overlays_trampoline_lowered:
0x8: {  	[smem:$0x3FAD] =	sst s0  }
0x9: {  	[smem:$0x3FAE] =	sst s1  }
0xa: {  	[smem:$0x3FAF] =	sst s2  }
0xb: {  	[smem:$0x3FB0] =	sst s3  }
0xc: {  	[smem:$0x3FB1] =	sst s4  }
0xd: {  	[smem:$0x3FB2] =	sst s5  }
0xe: {  	[smem:$0x3FB3] =	sst s6  }
0xf: {  	[smem:$0x3FB4] =	sst s7  }
0x10: {  	[smem:$0x3FB5] =	sst s8  }
0x11: {  	[smem:$0x3FB6] =	sst s9;
	s0 =	simm.s32 @!p0 $0x0  }
0x12: {  	s1 =	sld [smem:$0x3F9C];
	s0 =	simm.s32 @p0 $0x1  }
0x13: {  	[smem:$0x3FB7] =	sst s0;
	s0 =	simm.s32 @!p1 $0x0  }
0x14: {  	s2 =	sld [smem:$0x3F9B];
	s0 =	simm.s32 @p1 $0x1  }
0x15: {  	[smem:$0x3FB8] =	sst s0;
	s0 =	simm.s32 @!p2 $0x0  }
0x16: {  	s3 =	sld [smem:$0x3FDB];
	s0 =	simm.s32 @p2 $0x1  }
0x17: {  	s4 =	simm.s32 $0x1BF5;
	[smem:$0x3FBA] =	sst s0  }
0x18: {  	s0 =	sld [smem:$0x3F9D];
	_ =	swait.ge [sflag:s4], $0x0  }
0x19: {  	s7 =	sld [smem:$0x3F9E]  }
0x1a: {  	s8 =	sadd.s32 $0xFFFFE003, lr  }
0x1b: {  	s9 =	sadd.s32 $0xFFFFFEF7, lr;
	s5 =	simm.s32 $0xFFFFFFFF;
	p2 =	slt.u32 s8, $0xFFFFF086  }
0x1c: {  	p1 =	slt.u32 s9, $0xF7A;
	s5 =	simm.s32 @!p2 $0x0  }
0x1d: {  	s5 =	simm.s32 @p1 $0x1;
	p0 =	seq.s32 s7, s2  }
0x1e: {  	s7 =	smul.u32 @!p0 $0xF7A, s2;
	p2 =	seq.s32 @!p0 s5, $0x0  }
0x1f: {  	s9 =	smul.u32 $0xF7A, s1;
	s8 =	simm.s32 @!p0 $0x1BF5;
	p2 =	por !p2, p0  }
0x20: {  	[sflag:s8] =	ssyncset.s32 @!p0 $0xFFFFF086;
	s6 =	sadd.s32 @!p0 s3, s7;
	s7 =	simm.s32 @!p0 $0x108  }
0x21: {  	s3 =	sadd.s32 s3, s9;
	s6 =	sadd.s32 @!p0 $0x88, s6;
	s7 =	simm.s32 @p2 $0x1082  }
0x22: {  	[simem:s7], [sflag:s8] =	dma.local @!p0 [hbm:s6], $0xF7A  }
0x23: {  	s9 =	sor.u32 $0xD0000000, s2;
	s6 =	simm.s32 $0x108;
	_ =	swait.ge @!p0 [sflag:s8], $0x0  }
0x24: {  	s3 =	sadd.s32 $0x88, s3;
	s6 =	simm.s32 @!p1 $0x1082;
	[sflag:s4] =	ssyncset.s32 $0xFFFFF086  }
0x25: {  	[simem:s6], [sflag:s4] =	dma.local [hbm:s3], $0xF7A  }
0x26: {  	[smem:$0x3F9E] =	sst s1;
	(tag) =	ssettag s2;
	_ =	strace s9  }
0x27: {  	s1 =	sld [smem:$0x3FAE]  }
0x28: {  	s2 =	sld [smem:$0x3FAF]  }
0x29: {  	s4 =	sld [smem:$0x3FB1]  }
0x2a: {  	p0 =	seq.s32 s5, $0x0;
	s5 =	sld [smem:$0x3FB2]  }
0x2b: {  	s6 =	sld [smem:$0x3FB3]  }
0x2c: {  	s7 =	sld [smem:$0x3FB4]  }
0x2d: {  	s3 =	simm.s32 $0x108;
	s8 =	sld [smem:$0x3FB5]  }
0x2e: {  	s3 =	simm.s32 @!p0 $0x1082;
	s9 =	sld [smem:$0x3FB6]  }
0x2f: {  	lr =	sadd.s32 s0, s3;
	s0 =	sld [smem:$0x3FAD]  }
0x30: {  	s3 =	sld [smem:$0x3FB0]  }
0x31: {  	[smem:$0x3FB9] =	sst s10  }
0x32: {  	s10 =	sld [smem:$0x3FB7];
	_ =	sdelay $0x3  }
0x33: {  	p0 =	seq.s32 s10, $0x1;
	s10 =	sld [smem:$0x3FB9];
	_ =	sdelay $0x3  }
0x34: {  	[smem:$0x3FB9] =	sst s10  }
0x35: {  	s10 =	sld [smem:$0x3FB8];
	_ =	sdelay $0x3  }
0x36: {  	p1 =	seq.s32 s10, $0x1;
	s10 =	sld [smem:$0x3FB9];
	_ =	sdelay $0x3  }
0x37: {  	[smem:$0x3FB9] =	sst s10  }
0x38: {  	s10 =	sld [smem:$0x3FBA]  }
0x39: {  	_ = 	snop;
	(pc) =	sbr.ind lr, $3  }
0x3a: {  	_ = 	snop  }
0x3b: {  	_ = 	snop  }
0x3c: {  	p2 =	seq.s32 s10, $0x1;
	s10 =	sld [smem:$0x3FB9]  }
0x3d: {  	_ =	shalt  }
0x3e: {  	_ =	shalt  }
0x3f: {  	_ =	shalt  }
0x40: {  	_ =	shalt  }
0x41: {  	_ =	shalt  }
0x42: {  	_ =	shalt  }
0x43: {  	_ =	shalt  }
0x44: {  	_ =	shalt  }
0x45: {  	_ =	shalt  }
0x46: {  	_ =	shalt  }
0x47: {  	_ =	shalt  }
0x48: {  	_ =	shalt  }
0x49: {  	_ =	shalt  }
0x4a: {  	_ =	shalt  }
0x4b: {  	_ =	shalt  }
0x4c: {  	_ =	shalt  }
0x4d: {  	_ =	shalt  }
0x4e: {  	_ =	shalt  }
0x4f: {  	_ =	shalt  }
0x50: {  	_ =	shalt  }
0x51: {  	_ =	shalt  }
0x52: {  	_ =	shalt  }
0x53: {  	_ =	shalt  }
0x54: {  	_ =	shalt  }
0x55: {  	_ =	shalt  }
0x56: {  	_ =	shalt  }
0x57: {  	_ =	shalt  }
0x58: {  	_ =	shalt  }
0x59: {  	_ =	shalt  }
0x5a: {  	_ =	shalt  }
0x5b: {  	_ =	shalt  }
0x5c: {  	_ =	shalt  }
0x5d: {  	_ =	shalt  }
0x5e: {  	_ =	shalt  }
0x5f: {  	_ =	shalt  }
0x60: {  	_ =	shalt  }
0x61: {  	_ =	shalt  }
0x62: {  	_ =	shalt  }
0x63: {  	_ =	shalt  }
0x64: {  	_ =	shalt  }
0x65: {  	_ =	shalt  }
0x66: {  	_ =	shalt  }
0x67: {  	_ =	shalt  }
0x68: {  	_ =	shalt  }
0x69: {  	_ =	shalt  }
0x6a: {  	_ =	shalt  }
0x6b: {  	_ =	shalt  }
0x6c: {  	_ =	shalt  }
0x6d: {  	_ =	shalt  }
0x6e: {  	_ =	shalt  }
0x6f: {  	_ =	shalt  }
0x70: {  	_ =	shalt  }
0x71: {  	_ =	shalt  }
0x72: {  	_ =	shalt  }
0x73: {  	_ =	shalt  }
0x74: {  	_ =	shalt  }
0x75: {  	_ =	shalt  }
0x76: {  	_ =	shalt  }
0x77: {  	_ =	shalt  }
0x78: {  	_ =	shalt  }
0x79: {  	_ =	shalt  }
0x7a: {  	_ =	shalt  }
0x7b: {  	_ =	shalt  }
0x7c: {  	_ =	shalt  }
0x7d: {  	_ =	shalt  }
0x7e: {  	_ =	shalt  }
0x7f: {  	_ =	shalt  }
0x80: {  	_ =	shalt  }
0x81: {  	_ =	shalt  }
0x82: {  	_ =	shalt  }
0x83: {  	_ =	shalt  }
0x84: {  	_ =	shalt  }
0x85: {  	_ =	shalt  }
0x86: {  	_ =	shalt  }
0x87: {  	_ =	shalt  }
.Lfunc_end0:
.L_simem_size_0:
called_computation_lowered:
.L_overlay_start_0:
0x88: {  	s2 =	sld [smem:$0x3FD9]  }
0x89: {  	s3 =	sld [smem:$0x3FFE];
	_ =	sdelay $0x1  }
0x8a: {  	s1 =	srdreg.scid  }
0x8b: {  	s0 =	sand.u32 $0x1, s1  }
0x8c: {  	s17 =	sshll.u32 s0, $0xA;
	s2 =	sadd.s32 s3, s2  }
0x8d: {  	s2 =	sadd.s32 s2, s17  }
0x8e: {  	[smem:$0x3FC5] =	sst s2  }
0x8f: {  	_ = 	snop  }
0x90: {  	s2 =	sld [smem:$0x3FC9]  }
0x91: {  	s18 =	sld [smem:$0x3FD0];
	(tm) =	ssettm $0x1  }
0x92: {  	s4 =	sld [smem:$0x3FFB];
	_ =	sdelay $0x3  }
0x93: {  	_ =	strace s4  }
0x94: {  	s4 =	sld [smem:$0x3FFC];
	_ =	sdelay $0x3  }
0x95: {  	_ =	strace s4  }
0x96: {  	s4 =	sld [smem:$0x3FFD];
	_ =	sdelay $0x3  }
0x97: {  	_ =	strace s4  }
0x98: {  	_ =	strace $0x8FFFFFFF  }
0x99: {  	s19 =	sld [smem:$0x3FDB];
	_ =	sdelay $0x1  }
0x9a: {  	s5 =	simm.s32 $_scs_section_size  }
0x9b: {  	s6 =	simm.s32 $_size__tile_overlayer_lowered;
	s7 =	simm.s32 $_tile_overlayer_lowered  }
0x9c: {  	s22 =	simm.s32 $0x1BFF;
	s21 =	sshll.u32 s7, $0x1;
	s4 =	sadd.s32 s5, s19  }
0x9d: {  	s8 =	simm.s32 $0x0;
	s20 =	sshll.u32 s6, $0x1;
	s6 =	sadd.s32 s21, s4  }
0x9e: {  	[timem:s8], [sflag:s22] =	dma.local [hbm:s6], s20  }
0x9f: {  	_ =	swait.ge [sflag:s22], s20  }
0xa0: {  	s5 =	ssub.s32 $0x0, s20;
	[sflag:s22] =	ssyncset.done $0x0  }
0xa1: {  	[sflag:s22] =	ssyncadd.s32 s5;
	_ =	sdelay $0x1  }
0xa2: {  	s23 =	simm.s32 $0x1B8B  }
0xa3: {  	_ =	swait.ge [sflag:s23], $0x1  }
0xa4: {  	[sflag:s23] =	ssyncset.done $0x0  }
0xa5: {  	s25 =	simm.s32 $0x1B8E;
	s24 =	sld [smem:$0x3FFE];
	[sflag:s23] =	ssyncadd.s32 $0xFFFFFFFF  }
0xa6: {  	s26 =	simm.s32 $execute0_lowered;
	[smem:$0x3FD2] =	sst s25  }
0xa7: {  	s6 =	sshll.u32 s26, $0x1;
	_ =	strace $0x80000046;
	[dreg:$0x1] =	wrdreg $0xFFFFFFFF  }
0xa8: {  	s28 =	simm.s32 $_size_execute0_lowered;
	s4 =	sadd.s32 s4, s6;
	[dreg:$0x0] =	wrdreg $0x0  }
0xa9: {  	s6 =	sshll.u32 s28, $0x1;
	[dreg:$0x2] =	wrdreg s4  }
0xaa: {  	[dreg:$0x3] =	wrdreg s6  }
0xab: {  	[dreg:$0x4] =	wrdreg $0xC0  }
0xac: {  	_ =	task [dreg:s8], $0x5FFFF  }
0xad: {  	[dreg:$0x1] =	wrdreg $0xFFFFFFFF  }
0xae: {  	[dreg:$0x0] =	wrdreg $0x60  }
0xaf: {  	[dreg:$0x2] =	wrdreg s2  }
0xb0: {  	[dreg:$0x3] =	wrdreg s18  }
0xb1: {  	[dreg:$0x4] =	wrdreg s24  }
0xb2: {  	[dreg:$0x5] =	wrdreg $0x82000  }
0xb3: {  	[dreg:$0x6] =	wrdreg $0x9  }
0xb4: {  	_ =	task.clear_ibuf [dreg:s8], $0x7FFFF;
	_ =	strace $0x90000046  }
0xb5: {  	s29 =	simm.s32 $0x9;
	_ =	strace $0x80000048  }
0xb6: {  	_ =	swait.ge [sflag:s29], $0x1  }
0xb7: {  	[sflag:s29] =	ssyncadd.s32 $0xFFFFFFFF  }
0xb8: {  	_ =	strace $0x90000048  }
0xb9: {  	_ =	sfence  }
0xba: {  	s30 =	sld [smem:$0x0];
	_ =	sdelay $0x2  }
0xbb: {  	s31 =	sshll.u32 s1, $0xD;
	s1 =	sshrl.u32 s1, $0x2  }
0xbc: {  	s3 =	sand.u32 $0x4000, s31;
	s1 =	sadd.s32 s1, s30  }
0xbd: {  	s0 =	sor.u32 s3, s0;
	s1 =	sshll.u32 s1, $0x11  }
0xbe: {  	s0 =	sor.u32 s1, s0  }
0xbf: {  	s0 =	sadd.s32 $0x8F2B, s0  }
0xc0: {  	[sflag:s0] =	ssyncadd.remote.s32 $0x1  }
0xc1: {  	_ =	sfence.sel $0xFFFF  }
0xc2: {  	[dreg:$0x0] =	wrdreg $0xFFFFFFFF;
	(pc) =	sbr.abs _section_cstart, $3  }
0xc3: {  	[dreg:$0x1] =	wrdreg $0xFFFFFFFF  }
0xc4: {  	_ =	task.clear_ibuf [dreg:s8], $0x2FFFF;
	_ =	strace $0x9FFFFFFF  }
0xc5: {  	(tm) =	ssettm $0x7FFFFFFF  }
tec
execute0_lowered:
.L_overlay_start_1:
0x0: {  	(tag) =	ssettag $0x1  }
0x1: {  	s0 =	rddreg [dreg:$0x0]  }
0x2: {  	s1 =	rddreg [dreg:$0x1]  }
0x3: {  	s4 =	rddreg [dreg:$0x2];
	s2 =	srdreg.scid  }
0x4: {  	s5 =	rddreg [dreg:$0x3];
	s11 =	stileid.u32;
	s6 =	simm.s32 $0x0  }
0x5: {  	s28 =	simm.s32 $0x4200;
	s29 =	simm.s32 $0x3;
	s7 =	smul.u32 $0x14000, s11  }
0x6: {  	s30 =	simm.s32 $0x2;
	s31 =	simm.s32 $0x4;
	s9 =	smul.u32 $0x50000, s11  }
0x7: {  	s2 =	sand.u32 $0x1, s2;
	[smem:$0x7FF] =	sst s6;
	s19 =	smul.u32 $0xC, s11  }
0x8: {  	s3 =	smul.u32 $0x140000, s2;
	_ =	strace $0x80000047;
	s18 =	ssub.s32 $0x2, s2  }
0x9: {  	p0 =	seq.s32 s2, $0x0;
	s2 =	smul.u32 $0x94, s11;
	s8 =	sshrl.u32 s18, $0x1  }
0xa: {  	s20 =	sshrl.u32 s9, $0x2;
	s9 =	simm.s32 $0x94;
	s3 =	sadd.s32 s7, s3  }
0xb: {  	s10 =	ssub.s32 s18, s8;
	s7 =	sadd.s32 $0x940, s19;
	s8 =	sadd.s32 s20, s5  }
0xc: {  	s9 =	simm.s32 @!p0 $0xC;
	s3 =	sshrl.u32 s3, $0x3;
	s7 =	smov.u32 @p0 s2  }
0xd: {  	s21 =	sadd.s32 $0x4000, s8;
	s22 =	sadd.s32 $0x8000, s8;
	s23 =	sadd.s32 $0xC000, s8  }
0xe: {  	s25 =	sadd.s32 $0x10000, s8;
	s26 =	sshrl.u32 s9, $0x1;
	[dreg:$0x5] =	wrdreg s21  }
0xf: {  	s12 =	sadd.s32 $0xFFFFFFFF, s9;
	s17 =	smax.u32 s10, $0x1;
	[dreg:$0x6] =	wrdreg s22  }
0x10: {  	s2 =	simm.s32 $0x0;
	s3 =	sadd.s32 s3, s4;
	[dreg:$0x7] =	wrdreg s23  }
0x11: {  	s24 =	sshll.u32 s7, $0x4;
	[dreg:$0x8] =	wrdreg s25;
	s18 =	sadd.s32 $0xFFFFFFFF, s26  }
0x12: {  	s21 =	simm.s32 $0x200;
	s22 =	simm.s32 $0x5;
	s23 =	simm.s32 $0x80  }
0x13: {  	s25 =	simm.s32 $0x180;
	s26 =	simm.s32 $0x1;
	s13 =	sadd.s32 s1, s24  }
0x14: {  	s14 =	sadd.s32 s4, s24;
	s3 =	sadd.s32 $0xA000, s3;
	s24 =	simm.s32 $0x100  }
0x15: {  	v0 =	vimm.f32 $0.0e+00;
	[dreg:$0x9] =	wrdreg s3;
	s9 =	sadd.s32 $0x10, s14;
	s20 =	sadd.s32 $0x10, s13  }
.LBB2_1:
0x16: {  	s3 =	sand.u32 $0xFE00, s6  }
0x17: {  	s10 =	sand.u32 $0x70, s6;
	s11 =	sshrl.u32 s3, $0x2  }
0x18: {  	s3 =	simm.s32 $0x40;
	s11 =	sor.u32 s10, s11;
	s10 =	simm.s32 $0x0  }
.LBB2_2:
0x19: {  	p0 =	sne.s32 s3, $0xFFC0  }
0x1a: {  	[tilespmem:s11+$0x200] =	vst v0;
	s10 =	sadd.s32 $0x10, s10;
	s11 =	smov.u32 s3;
	s3 =	sadd.s32 $0x40, s3  }
.Ltmp0:
0x1b: {  	(pc) =	sbr.rel @p0 .LBB2_2-.Ltmp0, $4  }
0x1c: {  	_ = 	snop  }
0x1d: {  	s11 =	sand.u32 $0xFE00, s11  }
0x1e: {  	s19 =	sand.u32 $0x70, s10;
	s11 =	sshrl.u32 s11, $0x2  }
0x1f: {  	s11 =	sor.u32 s19, s11  }
0x20: {  	[tilespmem:s11+$0x200] =	vst v0  }
0x21: {  	[spmem:s8] =	stream.linear.scatter [tilespmem:s21], [sflag:$0x5], $0x4000, $0x38;
	[tilespmem:$0x1C200] =	vst v63  }
0x22: {  	_ =	swait.ge [sflag:s22], $0x4000  }
0x23: {  	[sflag:s22] =	ssyncset.done $0x0  }
0x24: {  	s3 =	rddreg [dreg:$0x5];
	[sflag:s22] =	ssyncadd.s32 $0xFFFFC000  }
0x25: {  	[spmem:s3] =	stream.linear.scatter [tilespmem:s21], [sflag:$0x5], $0x4000, $0x38;
	[tilespmem:$0x1C200] =	vst v63  }
0x26: {  	_ =	swait.ge [sflag:s22], $0x4000  }
0x27: {  	[sflag:s22] =	ssyncset.done $0x0  }
0x28: {  	s11 =	rddreg [dreg:$0x6];
	[sflag:s22] =	ssyncadd.s32 $0xFFFFC000  }
0x29: {  	[spmem:s11] =	stream.linear.scatter [tilespmem:s21], [sflag:$0x5], $0x4000, $0x38;
	[tilespmem:$0x1C200] =	vst v63  }
0x2a: {  	_ =	swait.ge [sflag:s22], $0x4000  }
0x2b: {  	[sflag:s22] =	ssyncset.done $0x0  }
0x2c: {  	s15 =	rddreg [dreg:$0x7];
	[sflag:s22] =	ssyncadd.s32 $0xFFFFC000  }
0x2d: {  	[spmem:s15] =	stream.linear.scatter [tilespmem:s21], [sflag:$0x5], $0x4000, $0x38;
	[tilespmem:$0x1C200] =	vst v63  }
0x2e: {  	_ =	swait.ge [sflag:s22], $0x4000  }
0x2f: {  	[sflag:s22] =	ssyncset.done $0x0  }
0x30: {  	s16 =	rddreg [dreg:$0x8];
	[sflag:s22] =	ssyncadd.s32 $0xFFFFC000  }
0x31: {  	[spmem:s16] =	stream.linear.scatter [tilespmem:s21], [sflag:$0x5], $0x4000, $0x38;
	[tilespmem:$0x1C200] =	vst v63  }
0x32: {  	_ =	swait.ge [sflag:s22], $0x4000  }
0x33: {  	[sflag:s22] =	ssyncset.done $0x0  }
0x34: {  	[sflag:s22] =	ssyncadd.s32 $0xFFFFC000  }
0x35: {  	[bflag:$0x0] =	sbarrier.arrive $0xFFFF  }
0x36: {  	[tilespmem:s6], [sflag:$0x5] =	stream.linear.gather [hbm4b:s13+s6], $0x80, $0x38;
	[tilespmem:$0x1C200] =	vst v63  }
0x37: {  	_ =	swait.ge [sflag:s22], $0x80  }
0x38: {  	[sflag:s22] =	ssyncset.done $0x0  }
0x39: {  	[sflag:s22] =	ssyncadd.s32 $0xFFFFFF80  }
0x3a: {  	[tilespmem:s23], [sflag:$0x5] =	stream.linear.gather [hbm4b:s14+s6], $0x80, $0x38;
	[tilespmem:$0x1C200] =	vst v63  }
0x3b: {  	_ =	swait.ge [sflag:s22], $0x80  }
0x3c: {  	[sflag:s22] =	ssyncset.done $0x0  }
0x3d: {  	[sflag:s22] =	ssyncadd.s32 $0xFFFFFF80  }
0x3e: {  	[tilespmem:s21], [sflag:$0x1] =	stream.indirect.gather [hbm4b:s0+s23], $0x80, s6, s23, $0xb8;
	[tilespmem:$0x1C200] =	vst v63  }
0x3f: {  	_ = 	snop  }
0x40: {  	[tilespmem:s24], [sflag:$0x5] =	stream.linear.gather [hbm4b:s20+s6], $0x80, $0x38;
	[tilespmem:$0x1C200] =	vst v63  }
0x41: {  	_ =	swait.ge [sflag:s22], $0x80  }
0x42: {  	[sflag:s22] =	ssyncset.done $0x0  }
0x43: {  	[sflag:s22] =	ssyncadd.s32 $0xFFFFFF80  }
0x44: {  	[tilespmem:s25], [sflag:$0x5] =	stream.linear.gather [hbm4b:s9+s6], $0x80, $0x38;
	[tilespmem:$0x1C200] =	vst v63  }
0x45: {  	_ =	swait.ge [sflag:s22], $0x80  }
0x46: {  	[sflag:s22] =	ssyncset.done $0x0  }
0x47: {  	[sflag:s22] =	ssyncadd.s32 $0xFFFFFF80  }
0x48: {  	p0 =	sgt.s32 s12, $0x2;
	_ =	swait.ge [sflag:s26], $0x4000  }
0x49: {  	s10 =	smov.u32 s12;
	s3 =	simm.s32 $0x2;
	[sflag:s26] =	ssyncset.done $0x0  }
0x4a: {  	s10 =	smov.u32 @p0 s3;
	[sflag:s26] =	ssyncadd.s32 $0xFFFFC000  }
0x4b: {  	[spmem:s5] =	stream.indirect.scatter.add.f32 [tilespmem:s21], [sflag:$0x3], $0x80, s23, s23, $0xb8;
	[tilespmem:$0x1C200] =	vst v63  }
0x4c: {  	s10 =	sadd.s32 s7, s10  }
0x4d: {  	[tilespmem:s28], [sflag:$0x2] =	stream.indirect.gather [hbm4b:s0+s23], $0x80, s24, s23, $0xb8;
	[tilespmem:$0x1C200] =	vst v63  }
0x4e: {  	s10 =	sshll.u32 s10, $0x4;
	_ =	swait.ge [sflag:s29], $0x4000  }
0x4f: {  	s10 =	sand.u32 $0x1FFFFFF0, s10;
	[sflag:s29] =	ssyncset.done $0x0  }
0x50: {  	s19 =	sadd.s32 s1, s10;
	[sflag:s29] =	ssyncadd.s32 $0xFFFFC000  }
0x51: {  	[tilespmem:s6], [sflag:$0x5] =	stream.linear.gather [hbm4b:s19+s6], $0x80, $0x38;
	[tilespmem:$0x1C200] =	vst v63  }
0x52: {  	_ =	swait.ge [sflag:s22], $0x80  }
0x53: {  	[sflag:s22] =	ssyncset.done $0x0  }
0x54: {  	s10 =	sadd.s32 s4, s10;
	[sflag:s22] =	ssyncadd.s32 $0xFFFFFF80  }
0x55: {  	[tilespmem:s23], [sflag:$0x5] =	stream.linear.gather [hbm4b:s10+s6], $0x80, $0x38;
	[tilespmem:$0x1C200] =	vst v63  }
0x56: {  	_ =	swait.ge [sflag:s22], $0x80  }
0x57: {  	[sflag:s22] =	ssyncset.done $0x0  }
0x58: {  	p0 =	sne.s32 s18, $0x1;
	[sflag:s22] =	ssyncadd.s32 $0xFFFFFF80  }
0x59: {  	[tilespmem:s21], [sflag:$0x1] =	stream.indirect.gather [hbm4b:s0+s23], $0x80, s6, s23, $0xb8;
	[tilespmem:$0x1C200] =	vst v63  }
.Ltmp1:
0x5a: {  	_ =	swait.ge [sflag:s30], $0x4000;
	(pc) =	sbr.rel @!p0 .LBB2_5-.Ltmp1, $4  }
0x5b: {  	[sflag:s30] =	ssyncset.done $0x0  }
0x5c: {  	s11 =	sadd.s32 $0xFFFFFFFF, s18;
	[sflag:s30] =	ssyncadd.s32 $0xFFFFC000  }
0x5d: {  	[spmem:s5] =	stream.indirect.scatter.add.f32 [tilespmem:s28], [sflag:$0x4], $0x80, s25, s23, $0xb8;
	[tilespmem:$0x1C200] =	vst v63  }
0x5e: {  	s19 =	smov.u32 s9;
	s10 =	sadd.s32 $0x20, s20;
	_ =	swait.ge [sflag:s31], $0x4000  }
.LBB2_4:
0x5f: {  	[sflag:s31] =	ssyncset.done $0x0;
	s3 =	sadd.s32 $0x2, s3;
	s19 =	sadd.s32 $0x20, s19  }
0x60: {  	p0 =	sne.s32 s11, $0x1;
	s11 =	sadd.s32 $0xFFFFFFFF, s11;
	[sflag:s31] =	ssyncadd.s32 $0xFFFFC000  }
0x61: {  	[tilespmem:s24], [sflag:$0x5] =	stream.linear.gather [hbm4b:s10+s6], $0x80, $0x38;
	[tilespmem:$0x1C200] =	vst v63  }
0x62: {  	_ =	swait.ge [sflag:s22], $0x80  }
0x63: {  	[sflag:s22] =	ssyncset.done $0x0  }
0x64: {  	[sflag:s22] =	ssyncadd.s32 $0xFFFFFF80  }
0x65: {  	[tilespmem:s25], [sflag:$0x5] =	stream.linear.gather [hbm4b:s19+s6], $0x80, $0x38;
	[tilespmem:$0x1C200] =	vst v63  }
0x66: {  	_ =	swait.ge [sflag:s22], $0x80  }
0x67: {  	[sflag:s22] =	ssyncset.done $0x0  }
0x68: {  	[sflag:s22] =	ssyncadd.s32 $0xFFFFFF80  }
0x69: {  	_ =	swait.ge [sflag:s26], $0x4000  }
0x6a: {  	s15 =	smov.u32 s12;
	p1 =	slt.s32 s3, s12;
	[sflag:s26] =	ssyncset.done $0x0  }
0x6b: {  	s15 =	smov.u32 @p1 s3;
	[sflag:s26] =	ssyncadd.s32 $0xFFFFC000  }
0x6c: {  	[spmem:s5] =	stream.indirect.scatter.add.f32 [tilespmem:s21], [sflag:$0x3], $0x80, s23, s23, $0xb8;
	[tilespmem:$0x1C200] =	vst v63  }
0x6d: {  	s15 =	sadd.s32 s7, s15  }
0x6e: {  	[tilespmem:s28], [sflag:$0x2] =	stream.indirect.gather [hbm4b:s0+s23], $0x80, s24, s23, $0xb8;
	[tilespmem:$0x1C200] =	vst v63  }
0x6f: {  	s15 =	sshll.u32 s15, $0x4;
	_ =	swait.ge [sflag:s29], $0x4000  }
0x70: {  	s15 =	sand.u32 $0x1FFFFFF0, s15;
	[sflag:s29] =	ssyncset.done $0x0  }
0x71: {  	s16 =	sadd.s32 s1, s15;
	[sflag:s29] =	ssyncadd.s32 $0xFFFFC000  }
0x72: {  	[tilespmem:s6], [sflag:$0x5] =	stream.linear.gather [hbm4b:s16+s6], $0x80, $0x38;
	[tilespmem:$0x1C200] =	vst v63  }
0x73: {  	_ =	swait.ge [sflag:s22], $0x80  }
0x74: {  	s15 =	sadd.s32 s4, s15;
	[sflag:s22] =	ssyncset.done $0x0  }
0x75: {  	[sflag:s22] =	ssyncadd.s32 $0xFFFFFF80  }
0x76: {  	[tilespmem:s23], [sflag:$0x5] =	stream.linear.gather [hbm4b:s15+s6], $0x80, $0x38;
	[tilespmem:$0x1C200] =	vst v63  }
0x77: {  	_ =	swait.ge [sflag:s22], $0x80  }
0x78: {  	[sflag:s22] =	ssyncset.done $0x0  }
0x79: {  	[sflag:s22] =	ssyncadd.s32 $0xFFFFFF80  }
0x7a: {  	[tilespmem:s21], [sflag:$0x1] =	stream.indirect.gather [hbm4b:s0+s23], $0x80, s6, s23, $0xb8;
	[tilespmem:$0x1C200] =	vst v63  }
.Ltmp2:
0x7b: {  	_ =	swait.ge [sflag:s30], $0x4000;
	(pc) =	sbr.rel @p0 .LBB2_4-.Ltmp2, $4  }
0x7c: {  	[sflag:s30] =	ssyncset.done $0x0  }
0x7d: {  	[sflag:s30] =	ssyncadd.s32 $0xFFFFC000  }
0x7e: {  	[spmem:s5] =	stream.indirect.scatter.add.f32 [tilespmem:s28], [sflag:$0x4], $0x80, s25, s23, $0xb8;
	[tilespmem:$0x1C200] =	vst v63  }
0x7f: {  	s10 =	sadd.s32 $0x20, s10;
	_ =	swait.ge [sflag:s31], $0x4000  }
.LBB2_5:
0x80: {  	[sflag:s31] =	ssyncset.done $0x0  }
0x81: {  	[sflag:s31] =	ssyncadd.s32 $0xFFFFC000  }
0x82: {  	[tilespmem:s24], [sflag:$0x5] =	stream.linear.gather [hbm4b:s10+s6], $0x80, $0x38;
	[tilespmem:$0x1C200] =	vst v63  }
0x83: {  	_ =	swait.ge [sflag:s22], $0x80  }
0x84: {  	[sflag:s22] =	ssyncset.done $0x0  }
0x85: {  	s11 =	sadd.s32 $0x20, s19;
	[sflag:s22] =	ssyncadd.s32 $0xFFFFFF80  }
0x86: {  	[tilespmem:s25], [sflag:$0x5] =	stream.linear.gather [hbm4b:s11+s6], $0x80, $0x38;
	[tilespmem:$0x1C200] =	vst v63  }
0x87: {  	_ =	swait.ge [sflag:s22], $0x80  }
0x88: {  	[sflag:s22] =	ssyncset.done $0x0  }
0x89: {  	[sflag:s22] =	ssyncadd.s32 $0xFFFFFF80  }
0x8a: {  	s3 =	sadd.s32 $0x2, s3;
	_ =	swait.ge [sflag:s26], $0x4000  }
0x8b: {  	p0 =	slt.s32 s3, s12;
	s10 =	smov.u32 s12;
	[sflag:s26] =	ssyncset.done $0x0  }
0x8c: {  	s10 =	smov.u32 @p0 s3;
	[sflag:s26] =	ssyncadd.s32 $0xFFFFC000  }
0x8d: {  	[spmem:s5] =	stream.indirect.scatter.add.f32 [tilespmem:s21], [sflag:$0x3], $0x80, s23, s23, $0xb8;
	[tilespmem:$0x1C200] =	vst v63  }
0x8e: {  	s3 =	sadd.s32 s7, s10  }
0x8f: {  	[tilespmem:s28], [sflag:$0x2] =	stream.indirect.gather [hbm4b:s0+s23], $0x80, s24, s23, $0xb8;
	[tilespmem:$0x1C200] =	vst v63  }
0x90: {  	s3 =	sshll.u32 s3, $0x4;
	_ =	swait.ge [sflag:s29], $0x4000  }
0x91: {  	s3 =	sand.u32 $0x1FFFFFF0, s3;
	[sflag:s29] =	ssyncset.done $0x0  }
0x92: {  	s15 =	sadd.s32 s1, s3;
	[sflag:s29] =	ssyncadd.s32 $0xFFFFC000  }
0x93: {  	[tilespmem:s6], [sflag:$0x5] =	stream.linear.gather [hbm4b:s15+s6], $0x80, $0x38;
	[tilespmem:$0x1C200] =	vst v63  }
0x94: {  	_ =	swait.ge [sflag:s22], $0x80  }
0x95: {  	[sflag:s22] =	ssyncset.done $0x0  }
0x96: {  	s3 =	sadd.s32 s4, s3;
	[sflag:s22] =	ssyncadd.s32 $0xFFFFFF80  }
0x97: {  	[tilespmem:s23], [sflag:$0x5] =	stream.linear.gather [hbm4b:s3+s6], $0x80, $0x38;
	[tilespmem:$0x1C200] =	vst v63  }
0x98: {  	_ =	swait.ge [sflag:s22], $0x80  }
0x99: {  	[sflag:s22] =	ssyncset.done $0x0  }
0x9a: {  	[sflag:s22] =	ssyncadd.s32 $0xFFFFFF80  }
0x9b: {  	[tilespmem:s21], [sflag:$0x1] =	stream.indirect.gather [hbm4b:s0+s23], $0x80, s6, s23, $0xb8;
	[tilespmem:$0x1C200] =	vst v63  }
0x9c: {  	_ =	swait.ge [sflag:s30], $0x4000  }
0x9d: {  	[sflag:s30] =	ssyncset.done $0x0  }
0x9e: {  	[sflag:s30] =	ssyncadd.s32 $0xFFFFC000  }
0x9f: {  	[spmem:s5] =	stream.indirect.scatter.add.f32 [tilespmem:s28], [sflag:$0x4], $0x80, s25, s23, $0xb8;
	[tilespmem:$0x1C200] =	vst v63  }
0xa0: {  	_ =	swait.ge [sflag:s31], $0x4000  }
0xa1: {  	[sflag:s31] =	ssyncset.done $0x0  }
0xa2: {  	[sflag:s31] =	ssyncadd.s32 $0xFFFFC000  }
0xa3: {  	_ =	swait.ge [sflag:s26], $0x4000  }
0xa4: {  	s16 =	stileid.u32;
	[sflag:s26] =	ssyncset.done $0x0  }
0xa5: {  	s19 =	sshrl.u32 s8, $0x3;
	s2 =	sadd.s32 $0x1, s2;
	[sflag:s26] =	ssyncadd.s32 $0xFFFFC000  }
0xa6: {  	p0 =	sne.s32 s2, s17;
	s3 =	sshll.u32 s16, $0x6;
	[bflag:$0x0] =	sbarrier.arrive $0xFFFF  }
.Ltmp3:
0xa7: {  	s3 =	sor.u32 $0x1C05, s3;
	s11 =	rddreg [dreg:$0x9];
	(pc) =	sbr.rel @p0 .LBB2_1-.Ltmp3, $4  }
0xa8: {  	[hbm:s11], [sflag:s3] =	dma.local [spmem:s19], $0x2800  }
0xa9: {  	_ =	swait.ge [sflag:s22], $0x2800  }
0xaa: {  	[sflag:s22] =	ssyncset.done $0x0  }
0xab: {  	[sflag:s22] =	ssyncadd.s32 $0xFFFFD800  }
0xac: {  	_ =	sfence.sel $0x180000  }
0xad: {  	[bflag:$0x0] =	sbarrier.arrive $0xFFFF  }
0xae: {  	_ =	strace $0x90000047  }
0xaf: {  	s0 =	stileid.u32;
	[bflag:$0x2] =	sbarrier.arrive $0xFFFF  }
0xb0: {  	p0 =	sne.s32 s0, $0x0;
	s0 =	rddreg [dreg:$0x4]  }
0xb1: {  	s0 =	sadd.s32 @!p0 $0x100000, s0  }
0xb2: {  	[sflag:s0] =	ssyncadd.tile.s32 @!p0 $0x1;
	_ =	shalt  }
.Lfunc_end2:
_tile_overlayer_lowered:
.L_overlay_start_2:
0xb3: {  	(tag) =	ssettag $0x2  }
0xb4: {  	s0 =	rddreg [dreg:$0x0];
	s2 =	stileid.u32  }
0xb5: {  	s1 =	rddreg [dreg:$0x1];
	p0 =	sne.s32 s2, $0x0  }
0xb6: {  	s3 =	rddreg [dreg:$0x2];
	[bflag:$0x3] =	sbarrier.arrive $0xFFFF;
	s2 =	simm.s32 @!p0 $0x1C05  }
0xb7: {  	[timem:s3], [sflag:s2] =	dma.local @!p0 [hbm:s0], s1  }
0xb8: {  	s0 =	simm.s32 @!p0 $0x5  }
0xb9: {  	_ =	swait.ge @!p0 [sflag:s0], s1  }
0xba: {  	s1 =	ssub.s32 @!p0 $0x0, s1;
	[sflag:s0] =	ssyncset.done @!p0 $0x0  }
0xbb: {  	[sflag:s0] =	ssyncadd.s32 @!p0 s1  }
0xbc: {  	[bflag:$0x3] =	sbarrier.arrive $0xFFFF  }
0xbd: {  	_ =	shalt  }

</sc_bundles>
